<compile_context>
chip_gen: v7x
topology: tpu7x:2x2x1
jax: 0.10.2.dev20260603
libtpu: 0.0.44.dev20260713+nightly
codegen_flags: <defaults>
</compile_context>

<pallas_src>
import functools

import jax
import jax.numpy as jnp
from jax import lax
from jax.experimental import pallas as pl
from jax.experimental.pallas import tpu as pltpu
from jax.experimental.pallas import tpu_sc as plsc

M = 16384
B = 16384
D = 2324
DC = 64
N_FULL = 36
D_MAIN = N_FULL * DC
TAIL = D - D_MAIN
TPAD = 24
RPS = M // 16
SPS = B // 16
SB = 256
NR = SPS // SB
NGR = SB // 128


def _sc_scatter(idx2d, span_emb, span_tail):
    mesh = plsc.VectorSubcoreMesh(core_axis_name="c", subcore_axis_name="s")

    @functools.partial(
        pl.kernel,
        mesh=mesh,
        compiler_params=pltpu.CompilerParams(use_tc_tiling_on_sc=False),
        out_type=[
            jax.ShapeDtypeStruct((M, TPAD), jnp.float32),
            jax.ShapeDtypeStruct((M, D_MAIN), jnp.float32),
            jax.ShapeDtypeStruct((M, TPAD), jnp.float32),
        ],
        scratch_types=[
            pltpu.VMEM_SHARED((M, DC), jnp.float32),
            pltpu.VMEM_SHARED((M, TPAD), jnp.float32),
            pltpu.VMEM((SB, DC), jnp.float32),
            pltpu.VMEM((SB, TPAD), jnp.float32),
            pltpu.VMEM((128, DC), jnp.float32),
            pltpu.VMEM((128, TPAD), jnp.float32),
            pltpu.VMEM((NR * NGR, 128), jnp.int32),
        ],
    )
    def k(idx_hbm, span_hbm, tail_hbm, cnt_hbm, sums_hbm, tsums_hbm,
          acc, acc_misc, sbuf, sbuf_tail, zbuf, ones_b, idxb):
        cid = lax.axis_index("c")
        sid = lax.axis_index("s")
        r0 = sid * RPS
        b0 = sid * SPS

        zv = jnp.zeros((16,), jnp.float32)
        ov = jnp.ones((16,), jnp.float32)

        def zrow(i, carry):
            for j in range(DC // 16):
                zbuf[i, pl.ds(j * 16, 16)] = zv
            return carry
        lax.fori_loop(0, 128, zrow, 0)

        def orow(i, carry):
            ones_b[i, pl.ds(0, 16)] = ov
            ones_b[i, pl.ds(8, 16)] = ov
            return carry
        lax.fori_loop(0, 128, orow, 0)

        pltpu.sync_copy(idx_hbm.at[pl.ds(sid * NR * NGR, NR * NGR)], idxb)

        @pl.when(cid == 0)
        def _():
            for t in range(RPS // 128):
                pltpu.sync_copy(zbuf.at[:, pl.ds(0, TPAD)],
                                acc_misc.at[pl.ds(r0 + t * 128, 128)])
            plsc.subcore_barrier()
            for q in range(NR):
                pltpu.sync_copy(tail_hbm.at[pl.ds(b0 + q * SB, SB)], sbuf_tail)
                for g in range(NGR):
                    pltpu.sync_copy(sbuf_tail.at[pl.ds(g * 128, 128)],
                                    acc_misc.at[idxb.at[q * NGR + g]], add=True)
            plsc.subcore_barrier()
            pltpu.sync_copy(acc_misc.at[pl.ds(r0, RPS)], tsums_hbm.at[pl.ds(r0, RPS)])

        @pl.when(cid == 1)
        def _():
            for t in range(RPS // 128):
                pltpu.sync_copy(zbuf.at[:, pl.ds(0, TPAD)],
                                acc_misc.at[pl.ds(r0 + t * 128, 128)])
            plsc.subcore_barrier()
            for q in range(NR):
                for g in range(NGR):
                    pltpu.sync_copy(ones_b, acc_misc.at[idxb.at[q * NGR + g]],
                                    add=True)
            plsc.subcore_barrier()
            pltpu.sync_copy(acc_misc.at[pl.ds(r0, RPS)], cnt_hbm.at[pl.ds(r0, RPS)])

        def chunk_body(i, carry):
            c0 = (i * 2 + cid) * DC
            for t in range(RPS // 128):
                pltpu.sync_copy(zbuf, acc.at[pl.ds(r0 + t * 128, 128)])
            plsc.subcore_barrier()
            for q in range(NR):
                pltpu.sync_copy(
                    span_hbm.at[pl.ds(b0 + q * SB, SB), pl.ds(c0, DC)], sbuf)
                for g in range(NGR):
                    pltpu.sync_copy(sbuf.at[pl.ds(g * 128, 128)],
                                    acc.at[idxb.at[q * NGR + g]], add=True)
            plsc.subcore_barrier()
            pltpu.sync_copy(acc.at[pl.ds(r0, RPS)],
                            sums_hbm.at[pl.ds(r0, RPS), pl.ds(c0, DC)])
            return carry
        lax.fori_loop(0, N_FULL // 2, chunk_body, 0)

    return k(idx2d, span_emb, span_tail)


def _tc_combine(cluster_emb, sizes2d, counts24, sums_main, sums_tail):
    R = 512

    def body(c_ref, s_ref, n_ref, m_ref, t_ref, o_ref):
        sf = s_ref[...]
        cnt = n_ref[:, 0:1]
        inv = 1.0 / (sf + cnt)
        o_ref[:, :D_MAIN] = (c_ref[:, :D_MAIN] * sf + m_ref[...]) * inv
        o_ref[:, D_MAIN:D] = (c_ref[:, D_MAIN:D] * sf + t_ref[:, :TAIL]) * inv

    return pl.pallas_call(
        body,
        grid=(M // R,),
        in_specs=[
            pl.BlockSpec((R, D), lambda i: (i, 0)),
            pl.BlockSpec((R, 1), lambda i: (i, 0)),
            pl.BlockSpec((R, TPAD), lambda i: (i, 0)),
            pl.BlockSpec((R, D_MAIN), lambda i: (i, 0)),
            pl.BlockSpec((R, TPAD), lambda i: (i, 0)),
        ],
        out_specs=pl.BlockSpec((R, D), lambda i: (i, 0)),
        out_shape=jax.ShapeDtypeStruct((M, D), jnp.float32),
    )(cluster_emb, sizes2d, counts24, sums_main, sums_tail)


def kernel(cluster_emb, cluster_sizes, idx, span_emb):
    idx2d = idx.astype(jnp.int32).reshape(128, 128)
    span_tail = jnp.pad(span_emb[:, D_MAIN:], ((0, 0), (0, TPAD - TAIL)))
    counts24, sums_main, sums_tail = _sc_scatter(idx2d, span_emb, span_tail)
    return _tc_combine(cluster_emb, cluster_sizes.reshape(M, 1).astype(jnp.float32),
                       counts24, sums_main, sums_tail)

# --- scband reference (transcript-rebuilt; emitter-appended) ---
"""Pipeline reference for scband-coref-decoder-hoi-3444563771557 (READ-ONLY COPY).

The authoritative reference and input builder live on the scoring server;
editing this copy changes nothing except your own understanding.
"""

import jax, jax.numpy as jnp
import numpy as np

M = 16384
B = 16384
D = 2324  # hidden_size*3 + coref_metadata_feature_size = 768*3 + 20

def setup_inputs(seed: int = 0) -> dict:
    key = jax.random.key(seed)
    k1, k2, k3 = jax.random.split(key, 3)
    cluster_emb = jax.random.normal(k1, (M, D), dtype=jnp.float32)
    span_emb = jax.random.normal(k2, (B, D), dtype=jnp.float32)
    idx = jax.random.randint(k3, (B,), 0, M)
    cluster_sizes = jnp.ones((M,), dtype=jnp.int32)
    return {"cluster_emb": cluster_emb, "cluster_sizes": cluster_sizes, "idx": idx, "span_emb": span_emb}

def reference(cluster_emb, cluster_sizes, idx, span_emb):
    # Batched form of CorefDecoderHOI._merge_span_to_cluster with reduce='mean':
    #   cluster_emb[c] = (cluster_emb[c] * cluster_sizes[c] + sum_of_assigned_spans) / (cluster_sizes[c] + n_assigned)
    #   cluster_sizes[c] += n_assigned
    # Spans are routed to clusters by idx (span_to_cluster assignment); this is the
    # scatter-memory core of the cluster_merging higher-order inference loop.
    m = cluster_emb.shape[0]
    counts = jnp.zeros((m,), dtype=span_emb.dtype).at[idx].add(jnp.ones((span_emb.shape[0],), dtype=span_emb.dtype))
    sums = jnp.zeros_like(cluster_emb).at[idx].add(span_emb)
    sizes_f = cluster_sizes.astype(span_emb.dtype)
    new_cluster_emb = (cluster_emb * sizes_f[:, None] + sums) / (sizes_f + counts)[:, None]
    return new_cluster_emb

if __name__ == "__main__":
    import jax
    _d = setup_inputs()
    print(jax.jit(kernel)(*tuple(_d.values())))

</pallas_src>

<mosaic_0001>
#map = affine_map<(d0, d1) -> (0, 0)>
module attributes {stable_mosaic.version = 14 : i64} {
  func.func @k(%arg0: i32, %arg1: i32, %arg2: memref<128x128xi32, #tpu.memory_space<hbm>>, %arg3: memref<16384x2324xf32, #tpu.memory_space<hbm>>, %arg4: memref<16384x24xf32, #tpu.memory_space<hbm>>, %arg5: memref<16384x24xf32, #tpu.memory_space<hbm>>, %arg6: memref<16384x2304xf32, #tpu.memory_space<hbm>>, %arg7: memref<16384x24xf32, #tpu.memory_space<hbm>>, %arg8: memref<16384x64xf32, #tpu.memory_space<vmem_shared>>, %arg9: memref<16384x24xf32, #tpu.memory_space<vmem_shared>>, %arg10: memref<256x64xf32, #tpu.memory_space<vmem>>, %arg11: memref<256x24xf32, #tpu.memory_space<vmem>>, %arg12: memref<128x64xf32, #tpu.memory_space<vmem>>, %arg13: memref<128x24xf32, #tpu.memory_space<vmem>>, %arg14: memref<8x128xi32, #tpu.memory_space<vmem>>) attributes {dimension_semantics = [#tpu.dimension_semantics<core_parallel>, #tpu.dimension_semantics<subcore_parallel>], iteration_bounds = array<i64: 2, 16>, scalar_prefetch = 0 : i64, scratch_operands = 7 : i64, tpu.core_type = #tpu.core_type<sc_vector_subcore>, window_params = [{transform_indices = #map}, {transform_indices = #map}, {transform_indices = #map}, {transform_indices = #map}, {transform_indices = #map}, {transform_indices = #map}]} {
    %mul3A = arith.constant 1024 : i32
    %mul3A_0 = arith.muli %arg1, %mul3A : i32
    %mul3A_1 = arith.constant 1024 : i32
    %mul3A_2 = arith.muli %arg1, %mul3A_1 : i32
    %broadcast_in_dim3A = arith.constant 0.000000e+00 : f32
    %broadcast_in_dim3A_3 = vector.broadcast %broadcast_in_dim3A : f32 to vector<16xf32>
    %broadcast_in_dim3A_4 = arith.constant 1.000000e+00 : f32
    %broadcast_in_dim3A_5 = vector.broadcast %broadcast_in_dim3A_4 : f32 to vector<16xf32>
    %scan3A = arith.constant 0 : i32
    %scan3A_6 = arith.constant 0 : i32
    %scan3A_7 = arith.constant 128 : i32
    %scan3A_8 = arith.addi %scan3A_6, %scan3A_7 : i32
    %scan3A_9 = arith.constant 1 : i32
    scf.for %scan3A_34 = %scan3A_6 to %scan3A_8 step %scan3A_9  : i32 {
      %swap3A = arith.index_cast %scan3A_34 : i32 to index
      %swap3A_35 = arith.constant 0 : index
      %swap3A_36 = tpu.vector_load %arg12[%swap3A, %swap3A_35] {strides = array<i32>} : memref<128x64xf32, #tpu.memory_space<vmem>>, vector<1x16xf32>,
      %swap3A_37 = vector.shape_cast %swap3A_36 : vector<1x16xf32> to vector<16xf32>
      %swap3A_38 = vector.shape_cast %broadcast_in_dim3A_3 : vector<16xf32> to vector<1x16xf32>
      tpu.vector_store %arg12[%swap3A, %swap3A_35], %swap3A_38 {strides = array<i32>} : memref<128x64xf32, #tpu.memory_space<vmem>>, vector<1x16xf32>,
      %swap3A_39 = arith.index_cast %scan3A_34 : i32 to index
      %swap3A_40 = arith.constant 16 : index
      %swap3A_41 = tpu.vector_load %arg12[%swap3A_39, %swap3A_40] {strides = array<i32>} : memref<128x64xf32, #tpu.memory_space<vmem>>, vector<1x16xf32>,
      %swap3A_42 = vector.shape_cast %swap3A_41 : vector<1x16xf32> to vector<16xf32>
      %swap3A_43 = vector.shape_cast %broadcast_in_dim3A_3 : vector<16xf32> to vector<1x16xf32>
      tpu.vector_store %arg12[%swap3A_39, %swap3A_40], %swap3A_43 {strides = array<i32>} : memref<128x64xf32, #tpu.memory_space<vmem>>, vector<1x16xf32>,
      %swap3A_44 = arith.index_cast %scan3A_34 : i32 to index
      %swap3A_45 = arith.constant 32 : index
      %swap3A_46 = tpu.vector_load %arg12[%swap3A_44, %swap3A_45] {strides = array<i32>} : memref<128x64xf32, #tpu.memory_space<vmem>>, vector<1x16xf32>,
      %swap3A_47 = vector.shape_cast %swap3A_46 : vector<1x16xf32> to vector<16xf32>
      %swap3A_48 = vector.shape_cast %broadcast_in_dim3A_3 : vector<16xf32> to vector<1x16xf32>
      tpu.vector_store %arg12[%swap3A_44, %swap3A_45], %swap3A_48 {strides = array<i32>} : memref<128x64xf32, #tpu.memory_space<vmem>>, vector<1x16xf32>,
      %swap3A_49 = arith.index_cast %scan3A_34 : i32 to index
      %swap3A_50 = arith.constant 48 : index
      %swap3A_51 = tpu.vector_load %arg12[%swap3A_49, %swap3A_50] {strides = array<i32>} : memref<128x64xf32, #tpu.memory_space<vmem>>, vector<1x16xf32>,
      %swap3A_52 = vector.shape_cast %swap3A_51 : vector<1x16xf32> to vector<16xf32>
      %swap3A_53 = vector.shape_cast %broadcast_in_dim3A_3 : vector<16xf32> to vector<1x16xf32>
      tpu.vector_store %arg12[%swap3A_49, %swap3A_50], %swap3A_53 {strides = array<i32>} : memref<128x64xf32, #tpu.memory_space<vmem>>, vector<1x16xf32>,
    }
    %scan3A_10 = arith.constant 128 : i32
    %scan3A_11 = arith.constant 0 : i32
    %scan3A_12 = arith.constant 0 : i32
    %scan3A_13 = arith.constant 128 : i32
    %scan3A_14 = arith.addi %scan3A_12, %scan3A_13 : i32
    %scan3A_15 = arith.constant 1 : i32
    scf.for %scan3A_34 = %scan3A_12 to %scan3A_14 step %scan3A_15  : i32 {
      %swap3A = arith.index_cast %scan3A_34 : i32 to index
      %swap3A_35 = arith.constant 0 : index
      %swap3A_36 = tpu.vector_load %arg13[%swap3A, %swap3A_35] {strides = array<i32>} : memref<128x24xf32, #tpu.memory_space<vmem>>, vector<1x16xf32>,
      %swap3A_37 = vector.shape_cast %swap3A_36 : vector<1x16xf32> to vector<16xf32>
      %swap3A_38 = vector.shape_cast %broadcast_in_dim3A_5 : vector<16xf32> to vector<1x16xf32>
      tpu.vector_store %arg13[%swap3A, %swap3A_35], %swap3A_38 {strides = array<i32>} : memref<128x24xf32, #tpu.memory_space<vmem>>, vector<1x16xf32>,
      %swap3A_39 = arith.index_cast %scan3A_34 : i32 to index
      %swap3A_40 = arith.constant 8 : index
      %swap3A_41 = tpu.vector_load %arg13[%swap3A_39, %swap3A_40] {strides = array<i32>} : memref<128x24xf32, #tpu.memory_space<vmem>>, vector<1x16xf32>,
      %swap3A_42 = vector.shape_cast %swap3A_41 : vector<1x16xf32> to vector<16xf32>
      %swap3A_43 = vector.shape_cast %broadcast_in_dim3A_5 : vector<16xf32> to vector<1x16xf32>
      tpu.vector_store %arg13[%swap3A_39, %swap3A_40], %swap3A_43 {strides = array<i32>} : memref<128x24xf32, #tpu.memory_space<vmem>>, vector<1x16xf32>,
    }
    %scan3A_16 = arith.constant 128 : i32
    %mul3A_17 = arith.constant 4 : i32
    %mul3A_18 = arith.muli %arg1, %mul3A_17 : i32
    %mul3A_19 = arith.constant 2 : i32
    %mul3A_20 = arith.muli %mul3A_18, %mul3A_19 : i32
    "tpu.region"() ({
      %run_scoped3A = tpu.sem_alloc : memref<!tpu.dma_semaphore, #tpu.memory_space<semaphore_mem>>
      %dma_start3A = arith.constant 0 : i32
      %dma_start3A_34 = tpu.memref_slice %arg2[%mul3A_20, %dma_start3A] : memref<128x128xi32, #tpu.memory_space<hbm>> -> memref<8x128xi32, #tpu.memory_space<hbm>>
      %dma_start3A_35 = arith.constant 0 : i32
      %dma_start3A_36 = tpu.memref_slice %arg2[%mul3A_20, %dma_start3A_35] : memref<128x128xi32, #tpu.memory_space<hbm>> -> memref<8x128xi32, #tpu.memory_space<hbm>>
      tpu.enqueue_dma source(%dma_start3A_36 : memref<8x128xi32, #tpu.memory_space<hbm>>) target(%arg14 : memref<8x128xi32, #tpu.memory_space<vmem>>) target_semaphore(%run_scoped3A : memref<!tpu.dma_semaphore, #tpu.memory_space<semaphore_mem>>)
      %dma_wait3A = arith.constant 0 : i32
      %dma_wait3A_37 = tpu.memref_slice %arg2[%mul3A_20, %dma_wait3A] : memref<128x128xi32, #tpu.memory_space<hbm>> -> memref<8x128xi32, #tpu.memory_space<hbm>>
      %dma_wait3A_38 = arith.constant 0 : i32
      %dma_wait3A_39 = tpu.memref_slice %arg2[%mul3A_20, %dma_wait3A_38] : memref<128x128xi32, #tpu.memory_space<hbm>> -> memref<8x128xi32, #tpu.memory_space<hbm>>
      tpu.wait_dma2 semaphore(%run_scoped3A : memref<!tpu.dma_semaphore, #tpu.memory_space<semaphore_mem>>) src(%dma_wait3A_39 : memref<8x128xi32, #tpu.memory_space<hbm>>) dst(%arg14 : memref<8x128xi32, #tpu.memory_space<vmem>>)
      tpu.yield
    }) : () -> ()
    %eq3A = arith.constant 0 : i32
    %eq3A_21 = arith.cmpi eq, %arg0, %eq3A : i32
    %convert_element_type3A = arith.extui %eq3A_21 : i1 to i32
    %cond3A = arith.constant 0 : i32
    %cond3A_22 = arith.cmpi ne, %convert_element_type3A, %cond3A : i32
    scf.if %cond3A_22 {
      %add3A = arith.constant 0 : i32
      %add3A_34 = arith.addi %mul3A_0, %add3A : i32
      "tpu.region"() ({
        %run_scoped3A_65 = tpu.sem_alloc : memref<!tpu.dma_semaphore, #tpu.memory_space<semaphore_mem>>
        %dma_start3A = arith.constant 0 : i32
        %dma_start3A_66 = arith.constant 0 : i32
        %dma_start3A_67 = tpu.memref_slice %arg12[%dma_start3A, %dma_start3A_66] : memref<128x64xf32, #tpu.memory_space<vmem>> -> memref<128x24xf32, #tpu.memory_space<vmem>>
        %dma_start3A_68 = arith.constant 0 : i32
        %dma_start3A_69 = tpu.memref_slice %arg9[%add3A_34, %dma_start3A_68] : memref<16384x24xf32, #tpu.memory_space<vmem_shared>> -> memref<128x24xf32, #tpu.memory_space<vmem_shared>>
        %dma_start3A_70 = arith.constant 0 : i32
        %dma_start3A_71 = tpu.memref_slice %arg9[%add3A_34, %dma_start3A_70] : memref<16384x24xf32, #tpu.memory_space<vmem_shared>> -> memref<128x24xf32, #tpu.memory_space<vmem_shared>>
        %dma_start3A_72 = arith.constant 0 : i32
        %dma_start3A_73 = arith.constant 0 : i32
        %dma_start3A_74 = tpu.memref_slice %arg12[%dma_start3A_72, %dma_start3A_73] : memref<128x64xf32, #tpu.memory_space<vmem>> -> memref<128x24xf32, #tpu.memory_space<vmem>>
        tpu.enqueue_dma source(%dma_start3A_74 : memref<128x24xf32, #tpu.memory_space<vmem>>) target(%dma_start3A_71 : memref<128x24xf32, #tpu.memory_space<vmem_shared>>) target_semaphore(%run_scoped3A_65 : memref<!tpu.dma_semaphore, #tpu.memory_space<semaphore_mem>>)
        %dma_wait3A = arith.constant 0 : i32
        %dma_wait3A_75 = arith.constant 0 : i32
        %dma_wait3A_76 = tpu.memref_slice %arg12[%dma_wait3A, %dma_wait3A_75] : memref<128x64xf32, #tpu.memory_space<vmem>> -> memref<128x24xf32, #tpu.memory_space<vmem>>
        %dma_wait3A_77 = arith.constant 0 : i32
        %dma_wait3A_78 = tpu.memref_slice %arg9[%add3A_34, %dma_wait3A_77] : memref<16384x24xf32, #tpu.memory_space<vmem_shared>> -> memref<128x24xf32, #tpu.memory_space<vmem_shared>>
        %dma_wait3A_79 = arith.constant 0 : i32
        %dma_wait3A_80 = tpu.memref_slice %arg9[%add3A_34, %dma_wait3A_79] : memref<16384x24xf32, #tpu.memory_space<vmem_shared>> -> memref<128x24xf32, #tpu.memory_space<vmem_shared>>
        %dma_wait3A_81 = arith.constant 0 : i32
        %dma_wait3A_82 = arith.constant 0 : i32
        %dma_wait3A_83 = tpu.memref_slice %arg12[%dma_wait3A_81, %dma_wait3A_82] : memref<128x64xf32, #tpu.memory_space<vmem>> -> memref<128x24xf32, #tpu.memory_space<vmem>>
        tpu.wait_dma2 semaphore(%run_scoped3A_65 : memref<!tpu.dma_semaphore, #tpu.memory_space<semaphore_mem>>) src(%dma_wait3A_83 : memref<128x24xf32, #tpu.memory_space<vmem>>) dst(%dma_wait3A_80 : memref<128x24xf32, #tpu.memory_space<vmem_shared>>)
        tpu.yield
      }) : () -> ()
      %add3A_35 = arith.constant 128 : i32
      %add3A_36 = arith.addi %mul3A_0, %add3A_35 : i32
      "tpu.region"() ({
        %run_scoped3A_65 = tpu.sem_alloc : memref<!tpu.dma_semaphore, #tpu.memory_space<semaphore_mem>>
        %dma_start3A = arith.constant 0 : i32
        %dma_start3A_66 = arith.constant 0 : i32
        %dma_start3A_67 = tpu.memref_slice %arg12[%dma_start3A, %dma_start3A_66] : memref<128x64xf32, #tpu.memory_space<vmem>> -> memref<128x24xf32, #tpu.memory_space<vmem>>
        %dma_start3A_68 = arith.constant 0 : i32
        %dma_start3A_69 = tpu.memref_slice %arg9[%add3A_36, %dma_start3A_68] : memref<16384x24xf32, #tpu.memory_space<vmem_shared>> -> memref<128x24xf32, #tpu.memory_space<vmem_shared>>
        %dma_start3A_70 = arith.constant 0 : i32
        %dma_start3A_71 = tpu.memref_slice %arg9[%add3A_36, %dma_start3A_70] : memref<16384x24xf32, #tpu.memory_space<vmem_shared>> -> memref<128x24xf32, #tpu.memory_space<vmem_shared>>
        %dma_start3A_72 = arith.constant 0 : i32
        %dma_start3A_73 = arith.constant 0 : i32
        %dma_start3A_74 = tpu.memref_slice %arg12[%dma_start3A_72, %dma_start3A_73] : memref<128x64xf32, #tpu.memory_space<vmem>> -> memref<128x24xf32, #tpu.memory_space<vmem>>
        tpu.enqueue_dma source(%dma_start3A_74 : memref<128x24xf32, #tpu.memory_space<vmem>>) target(%dma_start3A_71 : memref<128x24xf32, #tpu.memory_space<vmem_shared>>) target_semaphore(%run_scoped3A_65 : memref<!tpu.dma_semaphore, #tpu.memory_space<semaphore_mem>>)
        %dma_wait3A = arith.constant 0 : i32
        %dma_wait3A_75 = arith.constant 0 : i32
        %dma_wait3A_76 = tpu.memref_slice %arg12[%dma_wait3A, %dma_wait3A_75] : memref<128x64xf32, #tpu.memory_space<vmem>> -> memref<128x24xf32, #tpu.memory_space<vmem>>
        %dma_wait3A_77 = arith.constant 0 : i32
        %dma_wait3A_78 = tpu.memref_slice %arg9[%add3A_36, %dma_wait3A_77] : memref<16384x24xf32, #tpu.memory_space<vmem_shared>> -> memref<128x24xf32, #tpu.memory_space<vmem_shared>>
        %dma_wait3A_79 = arith.constant 0 : i32
        %dma_wait3A_80 = tpu.memref_slice %arg9[%add3A_36, %dma_wait3A_79] : memref<16384x24xf32, #tpu.memory_space<vmem_shared>> -> memref<128x24xf32, #tpu.memory_space<vmem_shared>>
        %dma_wait3A_81 = arith.constant 0 : i32
        %dma_wait3A_82 = arith.constant 0 : i32
        %dma_wait3A_83 = tpu.memref_slice %arg12[%dma_wait3A_81, %dma_wait3A_82] : memref<128x64xf32, #tpu.memory_space<vmem>> -> memref<128x24xf32, #tpu.memory_space<vmem>>
        tpu.wait_dma2 semaphore(%run_scoped3A_65 : memref<!tpu.dma_semaphore, #tpu.memory_space<semaphore_mem>>) src(%dma_wait3A_83 : memref<128x24xf32, #tpu.memory_space<vmem>>) dst(%dma_wait3A_80 : memref<128x24xf32, #tpu.memory_space<vmem_shared>>)
        tpu.yield
      }) : () -> ()
      %add3A_37 = arith.constant 256 : i32
      %add3A_38 = arith.addi %mul3A_0, %add3A_37 : i32
      "tpu.region"() ({
        %run_scoped3A_65 = tpu.sem_alloc : memref<!tpu.dma_semaphore, #tpu.memory_space<semaphore_mem>>
        %dma_start3A = arith.constant 0 : i32
        %dma_start3A_66 = arith.constant 0 : i32
        %dma_start3A_67 = tpu.memref_slice %arg12[%dma_start3A, %dma_start3A_66] : memref<128x64xf32, #tpu.memory_space<vmem>> -> memref<128x24xf32, #tpu.memory_space<vmem>>
        %dma_start3A_68 = arith.constant 0 : i32
        %dma_start3A_69 = tpu.memref_slice %arg9[%add3A_38, %dma_start3A_68] : memref<16384x24xf32, #tpu.memory_space<vmem_shared>> -> memref<128x24xf32, #tpu.memory_space<vmem_shared>>
        %dma_start3A_70 = arith.constant 0 : i32
        %dma_start3A_71 = tpu.memref_slice %arg9[%add3A_38, %dma_start3A_70] : memref<16384x24xf32, #tpu.memory_space<vmem_shared>> -> memref<128x24xf32, #tpu.memory_space<vmem_shared>>
        %dma_start3A_72 = arith.constant 0 : i32
        %dma_start3A_73 = arith.constant 0 : i32
        %dma_start3A_74 = tpu.memref_slice %arg12[%dma_start3A_72, %dma_start3A_73] : memref<128x64xf32, #tpu.memory_space<vmem>> -> memref<128x24xf32, #tpu.memory_space<vmem>>
        tpu.enqueue_dma source(%dma_start3A_74 : memref<128x24xf32, #tpu.memory_space<vmem>>) target(%dma_start3A_71 : memref<128x24xf32, #tpu.memory_space<vmem_shared>>) target_semaphore(%run_scoped3A_65 : memref<!tpu.dma_semaphore, #tpu.memory_space<semaphore_mem>>)
        %dma_wait3A = arith.constant 0 : i32
        %dma_wait3A_75 = arith.constant 0 : i32
        %dma_wait3A_76 = tpu.memref_slice %arg12[%dma_wait3A, %dma_wait3A_75] : memref<128x64xf32, #tpu.memory_space<vmem>> -> memref<128x24xf32, #tpu.memory_space<vmem>>
        %dma_wait3A_77 = arith.constant 0 : i32
        %dma_wait3A_78 = tpu.memref_slice %arg9[%add3A_38, %dma_wait3A_77] : memref<16384x24xf32, #tpu.memory_space<vmem_shared>> -> memref<128x24xf32, #tpu.memory_space<vmem_shared>>
        %dma_wait3A_79 = arith.constant 0 : i32
        %dma_wait3A_80 = tpu.memref_slice %arg9[%add3A_38, %dma_wait3A_79] : memref<16384x24xf32, #tpu.memory_space<vmem_shared>> -> memref<128x24xf32, #tpu.memory_space<vmem_shared>>
        %dma_wait3A_81 = arith.constant 0 : i32
        %dma_wait3A_82 = arith.constant 0 : i32
        %dma_wait3A_83 = tpu.memref_slice %arg12[%dma_wait3A_81, %dma_wait3A_82] : memref<128x64xf32, #tpu.memory_space<vmem>> -> memref<128x24xf32, #tpu.memory_space<vmem>>
        tpu.wait_dma2 semaphore(%run_scoped3A_65 : memref<!tpu.dma_semaphore, #tpu.memory_space<semaphore_mem>>) src(%dma_wait3A_83 : memref<128x24xf32, #tpu.memory_space<vmem>>) dst(%dma_wait3A_80 : memref<128x24xf32, #tpu.memory_space<vmem_shared>>)
        tpu.yield
      }) : () -> ()
      %add3A_39 = arith.constant 384 : i32
      %add3A_40 = arith.addi %mul3A_0, %add3A_39 : i32
      "tpu.region"() ({
        %run_scoped3A_65 = tpu.sem_alloc : memref<!tpu.dma_semaphore, #tpu.memory_space<semaphore_mem>>
        %dma_start3A = arith.constant 0 : i32
        %dma_start3A_66 = arith.constant 0 : i32
        %dma_start3A_67 = tpu.memref_slice %arg12[%dma_start3A, %dma_start3A_66] : memref<128x64xf32, #tpu.memory_space<vmem>> -> memref<128x24xf32, #tpu.memory_space<vmem>>
        %dma_start3A_68 = arith.constant 0 : i32
        %dma_start3A_69 = tpu.memref_slice %arg9[%add3A_40, %dma_start3A_68] : memref<16384x24xf32, #tpu.memory_space<vmem_shared>> -> memref<128x24xf32, #tpu.memory_space<vmem_shared>>
        %dma_start3A_70 = arith.constant 0 : i32
        %dma_start3A_71 = tpu.memref_slice %arg9[%add3A_40, %dma_start3A_70] : memref<16384x24xf32, #tpu.memory_space<vmem_shared>> -> memref<128x24xf32, #tpu.memory_space<vmem_shared>>
        %dma_start3A_72 = arith.constant 0 : i32
        %dma_start3A_73 = arith.constant 0 : i32
        %dma_start3A_74 = tpu.memref_slice %arg12[%dma_start3A_72, %dma_start3A_73] : memref<128x64xf32, #tpu.memory_space<vmem>> -> memref<128x24xf32, #tpu.memory_space<vmem>>
        tpu.enqueue_dma source(%dma_start3A_74 : memref<128x24xf32, #tpu.memory_space<vmem>>) target(%dma_start3A_71 : memref<128x24xf32, #tpu.memory_space<vmem_shared>>) target_semaphore(%run_scoped3A_65 : memref<!tpu.dma_semaphore, #tpu.memory_space<semaphore_mem>>)
        %dma_wait3A = arith.constant 0 : i32
        %dma_wait3A_75 = arith.constant 0 : i32
        %dma_wait3A_76 = tpu.memref_slice %arg12[%dma_wait3A, %dma_wait3A_75] : memref<128x64xf32, #tpu.memory_space<vmem>> -> memref<128x24xf32, #tpu.memory_space<vmem>>
        %dma_wait3A_77 = arith.constant 0 : i32
        %dma_wait3A_78 = tpu.memref_slice %arg9[%add3A_40, %dma_wait3A_77] : memref<16384x24xf32, #tpu.memory_space<vmem_shared>> -> memref<128x24xf32, #tpu.memory_space<vmem_shared>>
        %dma_wait3A_79 = arith.constant 0 : i32
        %dma_wait3A_80 = tpu.memref_slice %arg9[%add3A_40, %dma_wait3A_79] : memref<16384x24xf32, #tpu.memory_space<vmem_shared>> -> memref<128x24xf32, #tpu.memory_space<vmem_shared>>
        %dma_wait3A_81 = arith.constant 0 : i32
        %dma_wait3A_82 = arith.constant 0 : i32
        %dma_wait3A_83 = tpu.memref_slice %arg12[%dma_wait3A_81, %dma_wait3A_82] : memref<128x64xf32, #tpu.memory_space<vmem>> -> memref<128x24xf32, #tpu.memory_space<vmem>>
        tpu.wait_dma2 semaphore(%run_scoped3A_65 : memref<!tpu.dma_semaphore, #tpu.memory_space<semaphore_mem>>) src(%dma_wait3A_83 : memref<128x24xf32, #tpu.memory_space<vmem>>) dst(%dma_wait3A_80 : memref<128x24xf32, #tpu.memory_space<vmem_shared>>)
        tpu.yield
      }) : () -> ()
      %add3A_41 = arith.constant 512 : i32
      %add3A_42 = arith.addi %mul3A_0, %add3A_41 : i32
      "tpu.region"() ({
        %run_scoped3A_65 = tpu.sem_alloc : memref<!tpu.dma_semaphore, #tpu.memory_space<semaphore_mem>>
        %dma_start3A = arith.constant 0 : i32
        %dma_start3A_66 = arith.constant 0 : i32
        %dma_start3A_67 = tpu.memref_slice %arg12[%dma_start3A, %dma_start3A_66] : memref<128x64xf32, #tpu.memory_space<vmem>> -> memref<128x24xf32, #tpu.memory_space<vmem>>
        %dma_start3A_68 = arith.constant 0 : i32
        %dma_start3A_69 = tpu.memref_slice %arg9[%add3A_42, %dma_start3A_68] : memref<16384x24xf32, #tpu.memory_space<vmem_shared>> -> memref<128x24xf32, #tpu.memory_space<vmem_shared>>
        %dma_start3A_70 = arith.constant 0 : i32
        %dma_start3A_71 = tpu.memref_slice %arg9[%add3A_42, %dma_start3A_70] : memref<16384x24xf32, #tpu.memory_space<vmem_shared>> -> memref<128x24xf32, #tpu.memory_space<vmem_shared>>
        %dma_start3A_72 = arith.constant 0 : i32
        %dma_start3A_73 = arith.constant 0 : i32
        %dma_start3A_74 = tpu.memref_slice %arg12[%dma_start3A_72, %dma_start3A_73] : memref<128x64xf32, #tpu.memory_space<vmem>> -> memref<128x24xf32, #tpu.memory_space<vmem>>
        tpu.enqueue_dma source(%dma_start3A_74 : memref<128x24xf32, #tpu.memory_space<vmem>>) target(%dma_start3A_71 : memref<128x24xf32, #tpu.memory_space<vmem_shared>>) target_semaphore(%run_scoped3A_65 : memref<!tpu.dma_semaphore, #tpu.memory_space<semaphore_mem>>)
        %dma_wait3A = arith.constant 0 : i32
        %dma_wait3A_75 = arith.constant 0 : i32
        %dma_wait3A_76 = tpu.memref_slice %arg12[%dma_wait3A, %dma_wait3A_75] : memref<128x64xf32, #tpu.memory_space<vmem>> -> memref<128x24xf32, #tpu.memory_space<vmem>>
        %dma_wait3A_77 = arith.constant 0 : i32
        %dma_wait3A_78 = tpu.memref_slice %arg9[%add3A_42, %dma_wait3A_77] : memref<16384x24xf32, #tpu.memory_space<vmem_shared>> -> memref<128x24xf32, #tpu.memory_space<vmem_shared>>
        %dma_wait3A_79 = arith.constant 0 : i32
        %dma_wait3A_80 = tpu.memref_slice %arg9[%add3A_42, %dma_wait3A_79] : memref<16384x24xf32, #tpu.memory_space<vmem_shared>> -> memref<128x24xf32, #tpu.memory_space<vmem_shared>>
        %dma_wait3A_81 = arith.constant 0 : i32
        %dma_wait3A_82 = arith.constant 0 : i32
        %dma_wait3A_83 = tpu.memref_slice %arg12[%dma_wait3A_81, %dma_wait3A_82] : memref<128x64xf32, #tpu.memory_space<vmem>> -> memref<128x24xf32, #tpu.memory_space<vmem>>
        tpu.wait_dma2 semaphore(%run_scoped3A_65 : memref<!tpu.dma_semaphore, #tpu.memory_space<semaphore_mem>>) src(%dma_wait3A_83 : memref<128x24xf32, #tpu.memory_space<vmem>>) dst(%dma_wait3A_80 : memref<128x24xf32, #tpu.memory_space<vmem_shared>>)
        tpu.yield
      }) : () -> ()
      %add3A_43 = arith.constant 640 : i32
      %add3A_44 = arith.addi %mul3A_0, %add3A_43 : i32
      "tpu.region"() ({
        %run_scoped3A_65 = tpu.sem_alloc : memref<!tpu.dma_semaphore, #tpu.memory_space<semaphore_mem>>
        %dma_start3A = arith.constant 0 : i32
        %dma_start3A_66 = arith.constant 0 : i32
        %dma_start3A_67 = tpu.memref_slice %arg12[%dma_start3A, %dma_start3A_66] : memref<128x64xf32, #tpu.memory_space<vmem>> -> memref<128x24xf32, #tpu.memory_space<vmem>>
        %dma_start3A_68 = arith.constant 0 : i32
        %dma_start3A_69 = tpu.memref_slice %arg9[%add3A_44, %dma_start3A_68] : memref<16384x24xf32, #tpu.memory_space<vmem_shared>> -> memref<128x24xf32, #tpu.memory_space<vmem_shared>>
        %dma_start3A_70 = arith.constant 0 : i32
        %dma_start3A_71 = tpu.memref_slice %arg9[%add3A_44, %dma_start3A_70] : memref<16384x24xf32, #tpu.memory_space<vmem_shared>> -> memref<128x24xf32, #tpu.memory_space<vmem_shared>>
        %dma_start3A_72 = arith.constant 0 : i32
        %dma_start3A_73 = arith.constant 0 : i32
        %dma_start3A_74 = tpu.memref_slice %arg12[%dma_start3A_72, %dma_start3A_73] : memref<128x64xf32, #tpu.memory_space<vmem>> -> memref<128x24xf32, #tpu.memory_space<vmem>>
        tpu.enqueue_dma source(%dma_start3A_74 : memref<128x24xf32, #tpu.memory_space<vmem>>) target(%dma_start3A_71 : memref<128x24xf32, #tpu.memory_space<vmem_shared>>) target_semaphore(%run_scoped3A_65 : memref<!tpu.dma_semaphore, #tpu.memory_space<semaphore_mem>>)
        %dma_wait3A = arith.constant 0 : i32
        %dma_wait3A_75 = arith.constant 0 : i32
        %dma_wait3A_76 = tpu.memref_slice %arg12[%dma_wait3A, %dma_wait3A_75] : memref<128x64xf32, #tpu.memory_space<vmem>> -> memref<128x24xf32, #tpu.memory_space<vmem>>
        %dma_wait3A_77 = arith.constant 0 : i32
        %dma_wait3A_78 = tpu.memref_slice %arg9[%add3A_44, %dma_wait3A_77] : memref<16384x24xf32, #tpu.memory_space<vmem_shared>> -> memref<128x24xf32, #tpu.memory_space<vmem_shared>>
        %dma_wait3A_79 = arith.constant 0 : i32
        %dma_wait3A_80 = tpu.memref_slice %arg9[%add3A_44, %dma_wait3A_79] : memref<16384x24xf32, #tpu.memory_space<vmem_shared>> -> memref<128x24xf32, #tpu.memory_space<vmem_shared>>
        %dma_wait3A_81 = arith.constant 0 : i32
        %dma_wait3A_82 = arith.constant 0 : i32
        %dma_wait3A_83 = tpu.memref_slice %arg12[%dma_wait3A_81, %dma_wait3A_82] : memref<128x64xf32, #tpu.memory_space<vmem>> -> memref<128x24xf32, #tpu.memory_space<vmem>>
        tpu.wait_dma2 semaphore(%run_scoped3A_65 : memref<!tpu.dma_semaphore, #tpu.memory_space<semaphore_mem>>) src(%dma_wait3A_83 : memref<128x24xf32, #tpu.memory_space<vmem>>) dst(%dma_wait3A_80 : memref<128x24xf32, #tpu.memory_space<vmem_shared>>)
        tpu.yield
      }) : () -> ()
      %add3A_45 = arith.constant 768 : i32
      %add3A_46 = arith.addi %mul3A_0, %add3A_45 : i32
      "tpu.region"() ({
        %run_scoped3A_65 = tpu.sem_alloc : memref<!tpu.dma_semaphore, #tpu.memory_space<semaphore_mem>>
        %dma_start3A = arith.constant 0 : i32
        %dma_start3A_66 = arith.constant 0 : i32
        %dma_start3A_67 = tpu.memref_slice %arg12[%dma_start3A, %dma_start3A_66] : memref<128x64xf32, #tpu.memory_space<vmem>> -> memref<128x24xf32, #tpu.memory_space<vmem>>
        %dma_start3A_68 = arith.constant 0 : i32
        %dma_start3A_69 = tpu.memref_slice %arg9[%add3A_46, %dma_start3A_68] : memref<16384x24xf32, #tpu.memory_space<vmem_shared>> -> memref<128x24xf32, #tpu.memory_space<vmem_shared>>
        %dma_start3A_70 = arith.constant 0 : i32
        %dma_start3A_71 = tpu.memref_slice %arg9[%add3A_46, %dma_start3A_70] : memref<16384x24xf32, #tpu.memory_space<vmem_shared>> -> memref<128x24xf32, #tpu.memory_space<vmem_shared>>
        %dma_start3A_72 = arith.constant 0 : i32
        %dma_start3A_73 = arith.constant 0 : i32
        %dma_start3A_74 = tpu.memref_slice %arg12[%dma_start3A_72, %dma_start3A_73] : memref<128x64xf32, #tpu.memory_space<vmem>> -> memref<128x24xf32, #tpu.memory_space<vmem>>
        tpu.enqueue_dma source(%dma_start3A_74 : memref<128x24xf32, #tpu.memory_space<vmem>>) target(%dma_start3A_71 : memref<128x24xf32, #tpu.memory_space<vmem_shared>>) target_semaphore(%run_scoped3A_65 : memref<!tpu.dma_semaphore, #tpu.memory_space<semaphore_mem>>)
        %dma_wait3A = arith.constant 0 : i32
        %dma_wait3A_75 = arith.constant 0 : i32
        %dma_wait3A_76 = tpu.memref_slice %arg12[%dma_wait3A, %dma_wait3A_75] : memref<128x64xf32, #tpu.memory_space<vmem>> -> memref<128x24xf32, #tpu.memory_space<vmem>>
        %dma_wait3A_77 = arith.constant 0 : i32
        %dma_wait3A_78 = tpu.memref_slice %arg9[%add3A_46, %dma_wait3A_77] : memref<16384x24xf32, #tpu.memory_space<vmem_shared>> -> memref<128x24xf32, #tpu.memory_space<vmem_shared>>
        %dma_wait3A_79 = arith.constant 0 : i32
        %dma_wait3A_80 = tpu.memref_slice %arg9[%add3A_46, %dma_wait3A_79] : memref<16384x24xf32, #tpu.memory_space<vmem_shared>> -> memref<128x24xf32, #tpu.memory_space<vmem_shared>>
        %dma_wait3A_81 = arith.constant 0 : i32
        %dma_wait3A_82 = arith.constant 0 : i32
        %dma_wait3A_83 = tpu.memref_slice %arg12[%dma_wait3A_81, %dma_wait3A_82] : memref<128x64xf32, #tpu.memory_space<vmem>> -> memref<128x24xf32, #tpu.memory_space<vmem>>
        tpu.wait_dma2 semaphore(%run_scoped3A_65 : memref<!tpu.dma_semaphore, #tpu.memory_space<semaphore_mem>>) src(%dma_wait3A_83 : memref<128x24xf32, #tpu.memory_space<vmem>>) dst(%dma_wait3A_80 : memref<128x24xf32, #tpu.memory_space<vmem_shared>>)
        tpu.yield
      }) : () -> ()
      %add3A_47 = arith.constant 896 : i32
      %add3A_48 = arith.addi %mul3A_0, %add3A_47 : i32
      "tpu.region"() ({
        %run_scoped3A_65 = tpu.sem_alloc : memref<!tpu.dma_semaphore, #tpu.memory_space<semaphore_mem>>
        %dma_start3A = arith.constant 0 : i32
        %dma_start3A_66 = arith.constant 0 : i32
        %dma_start3A_67 = tpu.memref_slice %arg12[%dma_start3A, %dma_start3A_66] : memref<128x64xf32, #tpu.memory_space<vmem>> -> memref<128x24xf32, #tpu.memory_space<vmem>>
        %dma_start3A_68 = arith.constant 0 : i32
        %dma_start3A_69 = tpu.memref_slice %arg9[%add3A_48, %dma_start3A_68] : memref<16384x24xf32, #tpu.memory_space<vmem_shared>> -> memref<128x24xf32, #tpu.memory_space<vmem_shared>>
        %dma_start3A_70 = arith.constant 0 : i32
        %dma_start3A_71 = tpu.memref_slice %arg9[%add3A_48, %dma_start3A_70] : memref<16384x24xf32, #tpu.memory_space<vmem_shared>> -> memref<128x24xf32, #tpu.memory_space<vmem_shared>>
        %dma_start3A_72 = arith.constant 0 : i32
        %dma_start3A_73 = arith.constant 0 : i32
        %dma_start3A_74 = tpu.memref_slice %arg12[%dma_start3A_72, %dma_start3A_73] : memref<128x64xf32, #tpu.memory_space<vmem>> -> memref<128x24xf32, #tpu.memory_space<vmem>>
        tpu.enqueue_dma source(%dma_start3A_74 : memref<128x24xf32, #tpu.memory_space<vmem>>) target(%dma_start3A_71 : memref<128x24xf32, #tpu.memory_space<vmem_shared>>) target_semaphore(%run_scoped3A_65 : memref<!tpu.dma_semaphore, #tpu.memory_space<semaphore_mem>>)
        %dma_wait3A = arith.constant 0 : i32
        %dma_wait3A_75 = arith.constant 0 : i32
        %dma_wait3A_76 = tpu.memref_slice %arg12[%dma_wait3A, %dma_wait3A_75] : memref<128x64xf32, #tpu.memory_space<vmem>> -> memref<128x24xf32, #tpu.memory_space<vmem>>
        %dma_wait3A_77 = arith.constant 0 : i32
        %dma_wait3A_78 = tpu.memref_slice %arg9[%add3A_48, %dma_wait3A_77] : memref<16384x24xf32, #tpu.memory_space<vmem_shared>> -> memref<128x24xf32, #tpu.memory_space<vmem_shared>>
        %dma_wait3A_79 = arith.constant 0 : i32
        %dma_wait3A_80 = tpu.memref_slice %arg9[%add3A_48, %dma_wait3A_79] : memref<16384x24xf32, #tpu.memory_space<vmem_shared>> -> memref<128x24xf32, #tpu.memory_space<vmem_shared>>
        %dma_wait3A_81 = arith.constant 0 : i32
        %dma_wait3A_82 = arith.constant 0 : i32
        %dma_wait3A_83 = tpu.memref_slice %arg12[%dma_wait3A_81, %dma_wait3A_82] : memref<128x64xf32, #tpu.memory_space<vmem>> -> memref<128x24xf32, #tpu.memory_space<vmem>>
        tpu.wait_dma2 semaphore(%run_scoped3A_65 : memref<!tpu.dma_semaphore, #tpu.memory_space<semaphore_mem>>) src(%dma_wait3A_83 : memref<128x24xf32, #tpu.memory_space<vmem>>) dst(%dma_wait3A_80 : memref<128x24xf32, #tpu.memory_space<vmem_shared>>)
        tpu.yield
      }) : () -> ()
      %barrier3A = arith.constant 0 : index
      tpu.barrier barrier_id(%barrier3A)
      %add3A_49 = arith.constant 0 : i32
      %add3A_50 = arith.addi %mul3A_2, %add3A_49 : i32
      "tpu.region"() ({
        %run_scoped3A_65 = tpu.sem_alloc : memref<!tpu.dma_semaphore, #tpu.memory_space<semaphore_mem>>
        %dma_start3A = arith.constant 0 : i32
        %dma_start3A_66 = tpu.memref_slice %arg4[%add3A_50, %dma_start3A] : memref<16384x24xf32, #tpu.memory_space<hbm>> -> memref<256x24xf32, #tpu.memory_space<hbm>>
        %dma_start3A_67 = arith.constant 0 : i32
        %dma_start3A_68 = tpu.memref_slice %arg4[%add3A_50, %dma_start3A_67] : memref<16384x24xf32, #tpu.memory_space<hbm>> -> memref<256x24xf32, #tpu.memory_space<hbm>>
        tpu.enqueue_dma source(%dma_start3A_68 : memref<256x24xf32, #tpu.memory_space<hbm>>) target(%arg11 : memref<256x24xf32, #tpu.memory_space<vmem>>) target_semaphore(%run_scoped3A_65 : memref<!tpu.dma_semaphore, #tpu.memory_space<semaphore_mem>>)
        %dma_wait3A = arith.constant 0 : i32
        %dma_wait3A_69 = tpu.memref_slice %arg4[%add3A_50, %dma_wait3A] : memref<16384x24xf32, #tpu.memory_space<hbm>> -> memref<256x24xf32, #tpu.memory_space<hbm>>
        %dma_wait3A_70 = arith.constant 0 : i32
        %dma_wait3A_71 = tpu.memref_slice %arg4[%add3A_50, %dma_wait3A_70] : memref<16384x24xf32, #tpu.memory_space<hbm>> -> memref<256x24xf32, #tpu.memory_space<hbm>>
        tpu.wait_dma2 semaphore(%run_scoped3A_65 : memref<!tpu.dma_semaphore, #tpu.memory_space<semaphore_mem>>) src(%dma_wait3A_71 : memref<256x24xf32, #tpu.memory_space<hbm>>) dst(%arg11 : memref<256x24xf32, #tpu.memory_space<vmem>>)
        tpu.yield
      }) : () -> ()
      %run_scoped3A = arith.constant 0 : i32
      "tpu.region"() ({
        %run_scoped3A_65 = tpu.sem_alloc : memref<!tpu.dma_semaphore, #tpu.memory_space<semaphore_mem>>
        %dma_start3A = arith.constant 0 : i32
        %dma_start3A_66 = arith.constant 0 : i32
        %dma_start3A_67 = tpu.memref_slice %arg11[%dma_start3A, %dma_start3A_66] : memref<256x24xf32, #tpu.memory_space<vmem>> -> memref<128x24xf32, #tpu.memory_space<vmem>>
        %dma_start3A_68 = arith.constant 0 : i32
        %dma_start3A_69 = tpu.memref_slice %arg14[%run_scoped3A, %dma_start3A_68] : memref<8x128xi32, #tpu.memory_space<vmem>> -> memref<1x128xi32, #tpu.memory_space<vmem>>
        %dma_start3A_70 = tpu.memref_squeeze %dma_start3A_69 : memref<1x128xi32, #tpu.memory_space<vmem>> -> memref<128xi32, #tpu.memory_space<vmem>>
        %dma_start3A_71 = arith.constant 0 : i32
        %dma_start3A_72 = arith.constant 0 : i32
        %dma_start3A_73 = tpu.memref_slice %arg9[%dma_start3A_71, %dma_start3A_72] : memref<16384x24xf32, #tpu.memory_space<vmem_shared>> -> memref<16384x24xf32, #tpu.memory_space<vmem_shared>>
        tpu.enqueue_indirect_dma source(%dma_start3A_67 : memref<128x24xf32, #tpu.memory_space<vmem>>) target(%dma_start3A_73 : memref<16384x24xf32, #tpu.memory_space<vmem_shared>>) offsets(%dma_start3A_70 : memref<128xi32, #tpu.memory_space<vmem>>) semaphore(%run_scoped3A_65 : memref<!tpu.dma_semaphore, #tpu.memory_space<semaphore_mem>>) {add = true}
        %dma_wait3A = arith.constant 0 : i32
        %dma_wait3A_74 = arith.constant 0 : i32
        %dma_wait3A_75 = tpu.memref_slice %arg11[%dma_wait3A, %dma_wait3A_74] : memref<256x24xf32, #tpu.memory_space<vmem>> -> memref<128x24xf32, #tpu.memory_space<vmem>>
        %dma_wait3A_76 = arith.constant 0 : i32
        %dma_wait3A_77 = tpu.memref_slice %arg14[%run_scoped3A, %dma_wait3A_76] : memref<8x128xi32, #tpu.memory_space<vmem>> -> memref<1x128xi32, #tpu.memory_space<vmem>>
        %dma_wait3A_78 = tpu.memref_squeeze %dma_wait3A_77 : memref<1x128xi32, #tpu.memory_space<vmem>> -> memref<128xi32, #tpu.memory_space<vmem>>
        %dma_wait3A_79 = arith.constant 0 : i32
        %dma_wait3A_80 = arith.constant 0 : i32
        %dma_wait3A_81 = tpu.memref_slice %arg9[%dma_wait3A_79, %dma_wait3A_80] : memref<16384x24xf32, #tpu.memory_space<vmem_shared>> -> memref<16384x24xf32, #tpu.memory_space<vmem_shared>>
        tpu.wait_indirect_dma semaphore(%run_scoped3A_65 : memref<!tpu.dma_semaphore, #tpu.memory_space<semaphore_mem>>) src(%dma_wait3A_75 : memref<128x24xf32, #tpu.memory_space<vmem>>) dst(%dma_wait3A_81 : memref<16384x24xf32, #tpu.memory_space<vmem_shared>>)
        tpu.yield
      }) : () -> ()
      %run_scoped3A_51 = arith.constant 1 : i32
      "tpu.region"() ({
        %run_scoped3A_65 = tpu.sem_alloc : memref<!tpu.dma_semaphore, #tpu.memory_space<semaphore_mem>>
        %dma_start3A = arith.constant 128 : i32
        %dma_start3A_66 = arith.constant 0 : i32
        %dma_start3A_67 = tpu.memref_slice %arg11[%dma_start3A, %dma_start3A_66] : memref<256x24xf32, #tpu.memory_space<vmem>> -> memref<128x24xf32, #tpu.memory_space<vmem>>
        %dma_start3A_68 = arith.constant 0 : i32
        %dma_start3A_69 = tpu.memref_slice %arg14[%run_scoped3A_51, %dma_start3A_68] : memref<8x128xi32, #tpu.memory_space<vmem>> -> memref<1x128xi32, #tpu.memory_space<vmem>>
        %dma_start3A_70 = tpu.memref_squeeze %dma_start3A_69 : memref<1x128xi32, #tpu.memory_space<vmem>> -> memref<128xi32, #tpu.memory_space<vmem>>
        %dma_start3A_71 = arith.constant 0 : i32
        %dma_start3A_72 = arith.constant 0 : i32
        %dma_start3A_73 = tpu.memref_slice %arg9[%dma_start3A_71, %dma_start3A_72] : memref<16384x24xf32, #tpu.memory_space<vmem_shared>> -> memref<16384x24xf32, #tpu.memory_space<vmem_shared>>
        tpu.enqueue_indirect_dma source(%dma_start3A_67 : memref<128x24xf32, #tpu.memory_space<vmem>>) target(%dma_start3A_73 : memref<16384x24xf32, #tpu.memory_space<vmem_shared>>) offsets(%dma_start3A_70 : memref<128xi32, #tpu.memory_space<vmem>>) semaphore(%run_scoped3A_65 : memref<!tpu.dma_semaphore, #tpu.memory_space<semaphore_mem>>) {add = true}
        %dma_wait3A = arith.constant 128 : i32
        %dma_wait3A_74 = arith.constant 0 : i32
        %dma_wait3A_75 = tpu.memref_slice %arg11[%dma_wait3A, %dma_wait3A_74] : memref<256x24xf32, #tpu.memory_space<vmem>> -> memref<128x24xf32, #tpu.memory_space<vmem>>
        %dma_wait3A_76 = arith.constant 0 : i32
        %dma_wait3A_77 = tpu.memref_slice %arg14[%run_scoped3A_51, %dma_wait3A_76] : memref<8x128xi32, #tpu.memory_space<vmem>> -> memref<1x128xi32, #tpu.memory_space<vmem>>
        %dma_wait3A_78 = tpu.memref_squeeze %dma_wait3A_77 : memref<1x128xi32, #tpu.memory_space<vmem>> -> memref<128xi32, #tpu.memory_space<vmem>>
        %dma_wait3A_79 = arith.constant 0 : i32
        %dma_wait3A_80 = arith.constant 0 : i32
        %dma_wait3A_81 = tpu.memref_slice %arg9[%dma_wait3A_79, %dma_wait3A_80] : memref<16384x24xf32, #tpu.memory_space<vmem_shared>> -> memref<16384x24xf32, #tpu.memory_space<vmem_shared>>
        tpu.wait_indirect_dma semaphore(%run_scoped3A_65 : memref<!tpu.dma_semaphore, #tpu.memory_space<semaphore_mem>>) src(%dma_wait3A_75 : memref<128x24xf32, #tpu.memory_space<vmem>>) dst(%dma_wait3A_81 : memref<16384x24xf32, #tpu.memory_space<vmem_shared>>)
        tpu.yield
      }) : () -> ()
      %add3A_52 = arith.constant 256 : i32
      %add3A_53 = arith.addi %mul3A_2, %add3A_52 : i32
      "tpu.region"() ({
        %run_scoped3A_65 = tpu.sem_alloc : memref<!tpu.dma_semaphore, #tpu.memory_space<semaphore_mem>>
        %dma_start3A = arith.constant 0 : i32
        %dma_start3A_66 = tpu.memref_slice %arg4[%add3A_53, %dma_start3A] : memref<16384x24xf32, #tpu.memory_space<hbm>> -> memref<256x24xf32, #tpu.memory_space<hbm>>
        %dma_start3A_67 = arith.constant 0 : i32
        %dma_start3A_68 = tpu.memref_slice %arg4[%add3A_53, %dma_start3A_67] : memref<16384x24xf32, #tpu.memory_space<hbm>> -> memref<256x24xf32, #tpu.memory_space<hbm>>
        tpu.enqueue_dma source(%dma_start3A_68 : memref<256x24xf32, #tpu.memory_space<hbm>>) target(%arg11 : memref<256x24xf32, #tpu.memory_space<vmem>>) target_semaphore(%run_scoped3A_65 : memref<!tpu.dma_semaphore, #tpu.memory_space<semaphore_mem>>)
        %dma_wait3A = arith.constant 0 : i32
        %dma_wait3A_69 = tpu.memref_slice %arg4[%add3A_53, %dma_wait3A] : memref<16384x24xf32, #tpu.memory_space<hbm>> -> memref<256x24xf32, #tpu.memory_space<hbm>>
        %dma_wait3A_70 = arith.constant 0 : i32
        %dma_wait3A_71 = tpu.memref_slice %arg4[%add3A_53, %dma_wait3A_70] : memref<16384x24xf32, #tpu.memory_space<hbm>> -> memref<256x24xf32, #tpu.memory_space<hbm>>
        tpu.wait_dma2 semaphore(%run_scoped3A_65 : memref<!tpu.dma_semaphore, #tpu.memory_space<semaphore_mem>>) src(%dma_wait3A_71 : memref<256x24xf32, #tpu.memory_space<hbm>>) dst(%arg11 : memref<256x24xf32, #tpu.memory_space<vmem>>)
        tpu.yield
      }) : () -> ()
      %run_scoped3A_54 = arith.constant 2 : i32
      "tpu.region"() ({
        %run_scoped3A_65 = tpu.sem_alloc : memref<!tpu.dma_semaphore, #tpu.memory_space<semaphore_mem>>
        %dma_start3A = arith.constant 0 : i32
        %dma_start3A_66 = arith.constant 0 : i32
        %dma_start3A_67 = tpu.memref_slice %arg11[%dma_start3A, %dma_start3A_66] : memref<256x24xf32, #tpu.memory_space<vmem>> -> memref<128x24xf32, #tpu.memory_space<vmem>>
        %dma_start3A_68 = arith.constant 0 : i32
        %dma_start3A_69 = tpu.memref_slice %arg14[%run_scoped3A_54, %dma_start3A_68] : memref<8x128xi32, #tpu.memory_space<vmem>> -> memref<1x128xi32, #tpu.memory_space<vmem>>
        %dma_start3A_70 = tpu.memref_squeeze %dma_start3A_69 : memref<1x128xi32, #tpu.memory_space<vmem>> -> memref<128xi32, #tpu.memory_space<vmem>>
        %dma_start3A_71 = arith.constant 0 : i32
        %dma_start3A_72 = arith.constant 0 : i32
        %dma_start3A_73 = tpu.memref_slice %arg9[%dma_start3A_71, %dma_start3A_72] : memref<16384x24xf32, #tpu.memory_space<vmem_shared>> -> memref<16384x24xf32, #tpu.memory_space<vmem_shared>>
        tpu.enqueue_indirect_dma source(%dma_start3A_67 : memref<128x24xf32, #tpu.memory_space<vmem>>) target(%dma_start3A_73 : memref<16384x24xf32, #tpu.memory_space<vmem_shared>>) offsets(%dma_start3A_70 : memref<128xi32, #tpu.memory_space<vmem>>) semaphore(%run_scoped3A_65 : memref<!tpu.dma_semaphore, #tpu.memory_space<semaphore_mem>>) {add = true}
        %dma_wait3A = arith.constant 0 : i32
        %dma_wait3A_74 = arith.constant 0 : i32
        %dma_wait3A_75 = tpu.memref_slice %arg11[%dma_wait3A, %dma_wait3A_74] : memref<256x24xf32, #tpu.memory_space<vmem>> -> memref<128x24xf32, #tpu.memory_space<vmem>>
        %dma_wait3A_76 = arith.constant 0 : i32
        %dma_wait3A_77 = tpu.memref_slice %arg14[%run_scoped3A_54, %dma_wait3A_76] : memref<8x128xi32, #tpu.memory_space<vmem>> -> memref<1x128xi32, #tpu.memory_space<vmem>>
        %dma_wait3A_78 = tpu.memref_squeeze %dma_wait3A_77 : memref<1x128xi32, #tpu.memory_space<vmem>> -> memref<128xi32, #tpu.memory_space<vmem>>
        %dma_wait3A_79 = arith.constant 0 : i32
        %dma_wait3A_80 = arith.constant 0 : i32
        %dma_wait3A_81 = tpu.memref_slice %arg9[%dma_wait3A_79, %dma_wait3A_80] : memref<16384x24xf32, #tpu.memory_space<vmem_shared>> -> memref<16384x24xf32, #tpu.memory_space<vmem_shared>>
        tpu.wait_indirect_dma semaphore(%run_scoped3A_65 : memref<!tpu.dma_semaphore, #tpu.memory_space<semaphore_mem>>) src(%dma_wait3A_75 : memref<128x24xf32, #tpu.memory_space<vmem>>) dst(%dma_wait3A_81 : memref<16384x24xf32, #tpu.memory_space<vmem_shared>>)
        tpu.yield
      }) : () -> ()
      %run_scoped3A_55 = arith.constant 3 : i32
      "tpu.region"() ({
        %run_scoped3A_65 = tpu.sem_alloc : memref<!tpu.dma_semaphore, #tpu.memory_space<semaphore_mem>>
        %dma_start3A = arith.constant 128 : i32
        %dma_start3A_66 = arith.constant 0 : i32
        %dma_start3A_67 = tpu.memref_slice %arg11[%dma_start3A, %dma_start3A_66] : memref<256x24xf32, #tpu.memory_space<vmem>> -> memref<128x24xf32, #tpu.memory_space<vmem>>
        %dma_start3A_68 = arith.constant 0 : i32
        %dma_start3A_69 = tpu.memref_slice %arg14[%run_scoped3A_55, %dma_start3A_68] : memref<8x128xi32, #tpu.memory_space<vmem>> -> memref<1x128xi32, #tpu.memory_space<vmem>>
        %dma_start3A_70 = tpu.memref_squeeze %dma_start3A_69 : memref<1x128xi32, #tpu.memory_space<vmem>> -> memref<128xi32, #tpu.memory_space<vmem>>
        %dma_start3A_71 = arith.constant 0 : i32
        %dma_start3A_72 = arith.constant 0 : i32
        %dma_start3A_73 = tpu.memref_slice %arg9[%dma_start3A_71, %dma_start3A_72] : memref<16384x24xf32, #tpu.memory_space<vmem_shared>> -> memref<16384x24xf32, #tpu.memory_space<vmem_shared>>
        tpu.enqueue_indirect_dma source(%dma_start3A_67 : memref<128x24xf32, #tpu.memory_space<vmem>>) target(%dma_start3A_73 : memref<16384x24xf32, #tpu.memory_space<vmem_shared>>) offsets(%dma_start3A_70 : memref<128xi32, #tpu.memory_space<vmem>>) semaphore(%run_scoped3A_65 : memref<!tpu.dma_semaphore, #tpu.memory_space<semaphore_mem>>) {add = true}
        %dma_wait3A = arith.constant 128 : i32
        %dma_wait3A_74 = arith.constant 0 : i32
        %dma_wait3A_75 = tpu.memref_slice %arg11[%dma_wait3A, %dma_wait3A_74] : memref<256x24xf32, #tpu.memory_space<vmem>> -> memref<128x24xf32, #tpu.memory_space<vmem>>
        %dma_wait3A_76 = arith.constant 0 : i32
        %dma_wait3A_77 = tpu.memref_slice %arg14[%run_scoped3A_55, %dma_wait3A_76] : memref<8x128xi32, #tpu.memory_space<vmem>> -> memref<1x128xi32, #tpu.memory_space<vmem>>
        %dma_wait3A_78 = tpu.memref_squeeze %dma_wait3A_77 : memref<1x128xi32, #tpu.memory_space<vmem>> -> memref<128xi32, #tpu.memory_space<vmem>>
        %dma_wait3A_79 = arith.constant 0 : i32
        %dma_wait3A_80 = arith.constant 0 : i32
        %dma_wait3A_81 = tpu.memref_slice %arg9[%dma_wait3A_79, %dma_wait3A_80] : memref<16384x24xf32, #tpu.memory_space<vmem_shared>> -> memref<16384x24xf32, #tpu.memory_space<vmem_shared>>
        tpu.wait_indirect_dma semaphore(%run_scoped3A_65 : memref<!tpu.dma_semaphore, #tpu.memory_space<semaphore_mem>>) src(%dma_wait3A_75 : memref<128x24xf32, #tpu.memory_space<vmem>>) dst(%dma_wait3A_81 : memref<16384x24xf32, #tpu.memory_space<vmem_shared>>)
        tpu.yield
      }) : () -> ()
      %add3A_56 = arith.constant 512 : i32
      %add3A_57 = arith.addi %mul3A_2, %add3A_56 : i32
      "tpu.region"() ({
        %run_scoped3A_65 = tpu.sem_alloc : memref<!tpu.dma_semaphore, #tpu.memory_space<semaphore_mem>>
        %dma_start3A = arith.constant 0 : i32
        %dma_start3A_66 = tpu.memref_slice %arg4[%add3A_57, %dma_start3A] : memref<16384x24xf32, #tpu.memory_space<hbm>> -> memref<256x24xf32, #tpu.memory_space<hbm>>
        %dma_start3A_67 = arith.constant 0 : i32
        %dma_start3A_68 = tpu.memref_slice %arg4[%add3A_57, %dma_start3A_67] : memref<16384x24xf32, #tpu.memory_space<hbm>> -> memref<256x24xf32, #tpu.memory_space<hbm>>
        tpu.enqueue_dma source(%dma_start3A_68 : memref<256x24xf32, #tpu.memory_space<hbm>>) target(%arg11 : memref<256x24xf32, #tpu.memory_space<vmem>>) target_semaphore(%run_scoped3A_65 : memref<!tpu.dma_semaphore, #tpu.memory_space<semaphore_mem>>)
        %dma_wait3A = arith.constant 0 : i32
        %dma_wait3A_69 = tpu.memref_slice %arg4[%add3A_57, %dma_wait3A] : memref<16384x24xf32, #tpu.memory_space<hbm>> -> memref<256x24xf32, #tpu.memory_space<hbm>>
        %dma_wait3A_70 = arith.constant 0 : i32
        %dma_wait3A_71 = tpu.memref_slice %arg4[%add3A_57, %dma_wait3A_70] : memref<16384x24xf32, #tpu.memory_space<hbm>> -> memref<256x24xf32, #tpu.memory_space<hbm>>
        tpu.wait_dma2 semaphore(%run_scoped3A_65 : memref<!tpu.dma_semaphore, #tpu.memory_space<semaphore_mem>>) src(%dma_wait3A_71 : memref<256x24xf32, #tpu.memory_space<hbm>>) dst(%arg11 : memref<256x24xf32, #tpu.memory_space<vmem>>)
        tpu.yield
      }) : () -> ()
      %run_scoped3A_58 = arith.constant 4 : i32
      "tpu.region"() ({
        %run_scoped3A_65 = tpu.sem_alloc : memref<!tpu.dma_semaphore, #tpu.memory_space<semaphore_mem>>
        %dma_start3A = arith.constant 0 : i32
        %dma_start3A_66 = arith.constant 0 : i32
        %dma_start3A_67 = tpu.memref_slice %arg11[%dma_start3A, %dma_start3A_66] : memref<256x24xf32, #tpu.memory_space<vmem>> -> memref<128x24xf32, #tpu.memory_space<vmem>>
        %dma_start3A_68 = arith.constant 0 : i32
        %dma_start3A_69 = tpu.memref_slice %arg14[%run_scoped3A_58, %dma_start3A_68] : memref<8x128xi32, #tpu.memory_space<vmem>> -> memref<1x128xi32, #tpu.memory_space<vmem>>
        %dma_start3A_70 = tpu.memref_squeeze %dma_start3A_69 : memref<1x128xi32, #tpu.memory_space<vmem>> -> memref<128xi32, #tpu.memory_space<vmem>>
        %dma_start3A_71 = arith.constant 0 : i32
        %dma_start3A_72 = arith.constant 0 : i32
        %dma_start3A_73 = tpu.memref_slice %arg9[%dma_start3A_71, %dma_start3A_72] : memref<16384x24xf32, #tpu.memory_space<vmem_shared>> -> memref<16384x24xf32, #tpu.memory_space<vmem_shared>>
        tpu.enqueue_indirect_dma source(%dma_start3A_67 : memref<128x24xf32, #tpu.memory_space<vmem>>) target(%dma_start3A_73 : memref<16384x24xf32, #tpu.memory_space<vmem_shared>>) offsets(%dma_start3A_70 : memref<128xi32, #tpu.memory_space<vmem>>) semaphore(%run_scoped3A_65 : memref<!tpu.dma_semaphore, #tpu.memory_space<semaphore_mem>>) {add = true}
        %dma_wait3A = arith.constant 0 : i32
        %dma_wait3A_74 = arith.constant 0 : i32
        %dma_wait3A_75 = tpu.memref_slice %arg11[%dma_wait3A, %dma_wait3A_74] : memref<256x24xf32, #tpu.memory_space<vmem>> -> memref<128x24xf32, #tpu.memory_space<vmem>>
        %dma_wait3A_76 = arith.constant 0 : i32
        %dma_wait3A_77 = tpu.memref_slice %arg14[%run_scoped3A_58, %dma_wait3A_76] : memref<8x128xi32, #tpu.memory_space<vmem>> -> memref<1x128xi32, #tpu.memory_space<vmem>>
        %dma_wait3A_78 = tpu.memref_squeeze %dma_wait3A_77 : memref<1x128xi32, #tpu.memory_space<vmem>> -> memref<128xi32, #tpu.memory_space<vmem>>
        %dma_wait3A_79 = arith.constant 0 : i32
        %dma_wait3A_80 = arith.constant 0 : i32
        %dma_wait3A_81 = tpu.memref_slice %arg9[%dma_wait3A_79, %dma_wait3A_80] : memref<16384x24xf32, #tpu.memory_space<vmem_shared>> -> memref<16384x24xf32, #tpu.memory_space<vmem_shared>>
        tpu.wait_indirect_dma semaphore(%run_scoped3A_65 : memref<!tpu.dma_semaphore, #tpu.memory_space<semaphore_mem>>) src(%dma_wait3A_75 : memref<128x24xf32, #tpu.memory_space<vmem>>) dst(%dma_wait3A_81 : memref<16384x24xf32, #tpu.memory_space<vmem_shared>>)
        tpu.yield
      }) : () -> ()
      %run_scoped3A_59 = arith.constant 5 : i32
      "tpu.region"() ({
        %run_scoped3A_65 = tpu.sem_alloc : memref<!tpu.dma_semaphore, #tpu.memory_space<semaphore_mem>>
        %dma_start3A = arith.constant 128 : i32
        %dma_start3A_66 = arith.constant 0 : i32
        %dma_start3A_67 = tpu.memref_slice %arg11[%dma_start3A, %dma_start3A_66] : memref<256x24xf32, #tpu.memory_space<vmem>> -> memref<128x24xf32, #tpu.memory_space<vmem>>
        %dma_start3A_68 = arith.constant 0 : i32
        %dma_start3A_69 = tpu.memref_slice %arg14[%run_scoped3A_59, %dma_start3A_68] : memref<8x128xi32, #tpu.memory_space<vmem>> -> memref<1x128xi32, #tpu.memory_space<vmem>>
        %dma_start3A_70 = tpu.memref_squeeze %dma_start3A_69 : memref<1x128xi32, #tpu.memory_space<vmem>> -> memref<128xi32, #tpu.memory_space<vmem>>
        %dma_start3A_71 = arith.constant 0 : i32
        %dma_start3A_72 = arith.constant 0 : i32
        %dma_start3A_73 = tpu.memref_slice %arg9[%dma_start3A_71, %dma_start3A_72] : memref<16384x24xf32, #tpu.memory_space<vmem_shared>> -> memref<16384x24xf32, #tpu.memory_space<vmem_shared>>
        tpu.enqueue_indirect_dma source(%dma_start3A_67 : memref<128x24xf32, #tpu.memory_space<vmem>>) target(%dma_start3A_73 : memref<16384x24xf32, #tpu.memory_space<vmem_shared>>) offsets(%dma_start3A_70 : memref<128xi32, #tpu.memory_space<vmem>>) semaphore(%run_scoped3A_65 : memref<!tpu.dma_semaphore, #tpu.memory_space<semaphore_mem>>) {add = true}
        %dma_wait3A = arith.constant 128 : i32
        %dma_wait3A_74 = arith.constant 0 : i32
        %dma_wait3A_75 = tpu.memref_slice %arg11[%dma_wait3A, %dma_wait3A_74] : memref<256x24xf32, #tpu.memory_space<vmem>> -> memref<128x24xf32, #tpu.memory_space<vmem>>
        %dma_wait3A_76 = arith.constant 0 : i32
        %dma_wait3A_77 = tpu.memref_slice %arg14[%run_scoped3A_59, %dma_wait3A_76] : memref<8x128xi32, #tpu.memory_space<vmem>> -> memref<1x128xi32, #tpu.memory_space<vmem>>
        %dma_wait3A_78 = tpu.memref_squeeze %dma_wait3A_77 : memref<1x128xi32, #tpu.memory_space<vmem>> -> memref<128xi32, #tpu.memory_space<vmem>>
        %dma_wait3A_79 = arith.constant 0 : i32
        %dma_wait3A_80 = arith.constant 0 : i32
        %dma_wait3A_81 = tpu.memref_slice %arg9[%dma_wait3A_79, %dma_wait3A_80] : memref<16384x24xf32, #tpu.memory_space<vmem_shared>> -> memref<16384x24xf32, #tpu.memory_space<vmem_shared>>
        tpu.wait_indirect_dma semaphore(%run_scoped3A_65 : memref<!tpu.dma_semaphore, #tpu.memory_space<semaphore_mem>>) src(%dma_wait3A_75 : memref<128x24xf32, #tpu.memory_space<vmem>>) dst(%dma_wait3A_81 : memref<16384x24xf32, #tpu.memory_space<vmem_shared>>)
        tpu.yield
      }) : () -> ()
      %add3A_60 = arith.constant 768 : i32
      %add3A_61 = arith.addi %mul3A_2, %add3A_60 : i32
      "tpu.region"() ({
        %run_scoped3A_65 = tpu.sem_alloc : memref<!tpu.dma_semaphore, #tpu.memory_space<semaphore_mem>>
        %dma_start3A = arith.constant 0 : i32
        %dma_start3A_66 = tpu.memref_slice %arg4[%add3A_61, %dma_start3A] : memref<16384x24xf32, #tpu.memory_space<hbm>> -> memref<256x24xf32, #tpu.memory_space<hbm>>
        %dma_start3A_67 = arith.constant 0 : i32
        %dma_start3A_68 = tpu.memref_slice %arg4[%add3A_61, %dma_start3A_67] : memref<16384x24xf32, #tpu.memory_space<hbm>> -> memref<256x24xf32, #tpu.memory_space<hbm>>
        tpu.enqueue_dma source(%dma_start3A_68 : memref<256x24xf32, #tpu.memory_space<hbm>>) target(%arg11 : memref<256x24xf32, #tpu.memory_space<vmem>>) target_semaphore(%run_scoped3A_65 : memref<!tpu.dma_semaphore, #tpu.memory_space<semaphore_mem>>)
        %dma_wait3A = arith.constant 0 : i32
        %dma_wait3A_69 = tpu.memref_slice %arg4[%add3A_61, %dma_wait3A] : memref<16384x24xf32, #tpu.memory_space<hbm>> -> memref<256x24xf32, #tpu.memory_space<hbm>>
        %dma_wait3A_70 = arith.constant 0 : i32
        %dma_wait3A_71 = tpu.memref_slice %arg4[%add3A_61, %dma_wait3A_70] : memref<16384x24xf32, #tpu.memory_space<hbm>> -> memref<256x24xf32, #tpu.memory_space<hbm>>
        tpu.wait_dma2 semaphore(%run_scoped3A_65 : memref<!tpu.dma_semaphore, #tpu.memory_space<semaphore_mem>>) src(%dma_wait3A_71 : memref<256x24xf32, #tpu.memory_space<hbm>>) dst(%arg11 : memref<256x24xf32, #tpu.memory_space<vmem>>)
        tpu.yield
      }) : () -> ()
      %run_scoped3A_62 = arith.constant 6 : i32
      "tpu.region"() ({
        %run_scoped3A_65 = tpu.sem_alloc : memref<!tpu.dma_semaphore, #tpu.memory_space<semaphore_mem>>
        %dma_start3A = arith.constant 0 : i32
        %dma_start3A_66 = arith.constant 0 : i32
        %dma_start3A_67 = tpu.memref_slice %arg11[%dma_start3A, %dma_start3A_66] : memref<256x24xf32, #tpu.memory_space<vmem>> -> memref<128x24xf32, #tpu.memory_space<vmem>>
        %dma_start3A_68 = arith.constant 0 : i32
        %dma_start3A_69 = tpu.memref_slice %arg14[%run_scoped3A_62, %dma_start3A_68] : memref<8x128xi32, #tpu.memory_space<vmem>> -> memref<1x128xi32, #tpu.memory_space<vmem>>
        %dma_start3A_70 = tpu.memref_squeeze %dma_start3A_69 : memref<1x128xi32, #tpu.memory_space<vmem>> -> memref<128xi32, #tpu.memory_space<vmem>>
        %dma_start3A_71 = arith.constant 0 : i32
        %dma_start3A_72 = arith.constant 0 : i32
        %dma_start3A_73 = tpu.memref_slice %arg9[%dma_start3A_71, %dma_start3A_72] : memref<16384x24xf32, #tpu.memory_space<vmem_shared>> -> memref<16384x24xf32, #tpu.memory_space<vmem_shared>>
        tpu.enqueue_indirect_dma source(%dma_start3A_67 : memref<128x24xf32, #tpu.memory_space<vmem>>) target(%dma_start3A_73 : memref<16384x24xf32, #tpu.memory_space<vmem_shared>>) offsets(%dma_start3A_70 : memref<128xi32, #tpu.memory_space<vmem>>) semaphore(%run_scoped3A_65 : memref<!tpu.dma_semaphore, #tpu.memory_space<semaphore_mem>>) {add = true}
        %dma_wait3A = arith.constant 0 : i32
        %dma_wait3A_74 = arith.constant 0 : i32
        %dma_wait3A_75 = tpu.memref_slice %arg11[%dma_wait3A, %dma_wait3A_74] : memref<256x24xf32, #tpu.memory_space<vmem>> -> memref<128x24xf32, #tpu.memory_space<vmem>>
        %dma_wait3A_76 = arith.constant 0 : i32
        %dma_wait3A_77 = tpu.memref_slice %arg14[%run_scoped3A_62, %dma_wait3A_76] : memref<8x128xi32, #tpu.memory_space<vmem>> -> memref<1x128xi32, #tpu.memory_space<vmem>>
        %dma_wait3A_78 = tpu.memref_squeeze %dma_wait3A_77 : memref<1x128xi32, #tpu.memory_space<vmem>> -> memref<128xi32, #tpu.memory_space<vmem>>
        %dma_wait3A_79 = arith.constant 0 : i32
        %dma_wait3A_80 = arith.constant 0 : i32
        %dma_wait3A_81 = tpu.memref_slice %arg9[%dma_wait3A_79, %dma_wait3A_80] : memref<16384x24xf32, #tpu.memory_space<vmem_shared>> -> memref<16384x24xf32, #tpu.memory_space<vmem_shared>>
        tpu.wait_indirect_dma semaphore(%run_scoped3A_65 : memref<!tpu.dma_semaphore, #tpu.memory_space<semaphore_mem>>) src(%dma_wait3A_75 : memref<128x24xf32, #tpu.memory_space<vmem>>) dst(%dma_wait3A_81 : memref<16384x24xf32, #tpu.memory_space<vmem_shared>>)
        tpu.yield
      }) : () -> ()
      %run_scoped3A_63 = arith.constant 7 : i32
      "tpu.region"() ({
        %run_scoped3A_65 = tpu.sem_alloc : memref<!tpu.dma_semaphore, #tpu.memory_space<semaphore_mem>>
        %dma_start3A = arith.constant 128 : i32
        %dma_start3A_66 = arith.constant 0 : i32
        %dma_start3A_67 = tpu.memref_slice %arg11[%dma_start3A, %dma_start3A_66] : memref<256x24xf32, #tpu.memory_space<vmem>> -> memref<128x24xf32, #tpu.memory_space<vmem>>
        %dma_start3A_68 = arith.constant 0 : i32
        %dma_start3A_69 = tpu.memref_slice %arg14[%run_scoped3A_63, %dma_start3A_68] : memref<8x128xi32, #tpu.memory_space<vmem>> -> memref<1x128xi32, #tpu.memory_space<vmem>>
        %dma_start3A_70 = tpu.memref_squeeze %dma_start3A_69 : memref<1x128xi32, #tpu.memory_space<vmem>> -> memref<128xi32, #tpu.memory_space<vmem>>
        %dma_start3A_71 = arith.constant 0 : i32
        %dma_start3A_72 = arith.constant 0 : i32
        %dma_start3A_73 = tpu.memref_slice %arg9[%dma_start3A_71, %dma_start3A_72] : memref<16384x24xf32, #tpu.memory_space<vmem_shared>> -> memref<16384x24xf32, #tpu.memory_space<vmem_shared>>
        tpu.enqueue_indirect_dma source(%dma_start3A_67 : memref<128x24xf32, #tpu.memory_space<vmem>>) target(%dma_start3A_73 : memref<16384x24xf32, #tpu.memory_space<vmem_shared>>) offsets(%dma_start3A_70 : memref<128xi32, #tpu.memory_space<vmem>>) semaphore(%run_scoped3A_65 : memref<!tpu.dma_semaphore, #tpu.memory_space<semaphore_mem>>) {add = true}
        %dma_wait3A = arith.constant 128 : i32
        %dma_wait3A_74 = arith.constant 0 : i32
        %dma_wait3A_75 = tpu.memref_slice %arg11[%dma_wait3A, %dma_wait3A_74] : memref<256x24xf32, #tpu.memory_space<vmem>> -> memref<128x24xf32, #tpu.memory_space<vmem>>
        %dma_wait3A_76 = arith.constant 0 : i32
        %dma_wait3A_77 = tpu.memref_slice %arg14[%run_scoped3A_63, %dma_wait3A_76] : memref<8x128xi32, #tpu.memory_space<vmem>> -> memref<1x128xi32, #tpu.memory_space<vmem>>
        %dma_wait3A_78 = tpu.memref_squeeze %dma_wait3A_77 : memref<1x128xi32, #tpu.memory_space<vmem>> -> memref<128xi32, #tpu.memory_space<vmem>>
        %dma_wait3A_79 = arith.constant 0 : i32
        %dma_wait3A_80 = arith.constant 0 : i32
        %dma_wait3A_81 = tpu.memref_slice %arg9[%dma_wait3A_79, %dma_wait3A_80] : memref<16384x24xf32, #tpu.memory_space<vmem_shared>> -> memref<16384x24xf32, #tpu.memory_space<vmem_shared>>
        tpu.wait_indirect_dma semaphore(%run_scoped3A_65 : memref<!tpu.dma_semaphore, #tpu.memory_space<semaphore_mem>>) src(%dma_wait3A_75 : memref<128x24xf32, #tpu.memory_space<vmem>>) dst(%dma_wait3A_81 : memref<16384x24xf32, #tpu.memory_space<vmem_shared>>)
        tpu.yield
      }) : () -> ()
      %barrier3A_64 = arith.constant 0 : index
      tpu.barrier barrier_id(%barrier3A_64)
      "tpu.region"() ({
        %run_scoped3A_65 = tpu.sem_alloc : memref<!tpu.dma_semaphore, #tpu.memory_space<semaphore_mem>>
        %dma_start3A = arith.constant 0 : i32
        %dma_start3A_66 = tpu.memref_slice %arg7[%mul3A_0, %dma_start3A] : memref<16384x24xf32, #tpu.memory_space<hbm>> -> memref<1024x24xf32, #tpu.memory_space<hbm>>
        %dma_start3A_67 = arith.constant 0 : i32
        %dma_start3A_68 = tpu.memref_slice %arg9[%mul3A_0, %dma_start3A_67] : memref<16384x24xf32, #tpu.memory_space<vmem_shared>> -> memref<1024x24xf32, #tpu.memory_space<vmem_shared>>
        tpu.enqueue_dma source(%dma_start3A_68 : memref<1024x24xf32, #tpu.memory_space<vmem_shared>>) target(%dma_start3A_66 : memref<1024x24xf32, #tpu.memory_space<hbm>>) target_semaphore(%run_scoped3A_65 : memref<!tpu.dma_semaphore, #tpu.memory_space<semaphore_mem>>)
        %dma_wait3A = arith.constant 0 : i32
        %dma_wait3A_69 = tpu.memref_slice %arg7[%mul3A_0, %dma_wait3A] : memref<16384x24xf32, #tpu.memory_space<hbm>> -> memref<1024x24xf32, #tpu.memory_space<hbm>>
        %dma_wait3A_70 = arith.constant 0 : i32
        %dma_wait3A_71 = tpu.memref_slice %arg9[%mul3A_0, %dma_wait3A_70] : memref<16384x24xf32, #tpu.memory_space<vmem_shared>> -> memref<1024x24xf32, #tpu.memory_space<vmem_shared>>
        tpu.wait_dma2 semaphore(%run_scoped3A_65 : memref<!tpu.dma_semaphore, #tpu.memory_space<semaphore_mem>>) src(%dma_wait3A_71 : memref<1024x24xf32, #tpu.memory_space<vmem_shared>>) dst(%dma_wait3A_69 : memref<1024x24xf32, #tpu.memory_space<hbm>>)
        tpu.yield
      }) : () -> ()
    } else {
    }
    %eq3A_23 = arith.constant 1 : i32
    %eq3A_24 = arith.cmpi eq, %arg0, %eq3A_23 : i32
    %convert_element_type3A_25 = arith.extui %eq3A_24 : i1 to i32
    %cond3A_26 = arith.constant 0 : i32
    %cond3A_27 = arith.cmpi ne, %convert_element_type3A_25, %cond3A_26 : i32
    scf.if %cond3A_27 {
      %add3A = arith.constant 0 : i32
      %add3A_34 = arith.addi %mul3A_0, %add3A : i32
      "tpu.region"() ({
        %run_scoped3A_57 = tpu.sem_alloc : memref<!tpu.dma_semaphore, #tpu.memory_space<semaphore_mem>>
        %dma_start3A = arith.constant 0 : i32
        %dma_start3A_58 = arith.constant 0 : i32
        %dma_start3A_59 = tpu.memref_slice %arg12[%dma_start3A, %dma_start3A_58] : memref<128x64xf32, #tpu.memory_space<vmem>> -> memref<128x24xf32, #tpu.memory_space<vmem>>
        %dma_start3A_60 = arith.constant 0 : i32
        %dma_start3A_61 = tpu.memref_slice %arg9[%add3A_34, %dma_start3A_60] : memref<16384x24xf32, #tpu.memory_space<vmem_shared>> -> memref<128x24xf32, #tpu.memory_space<vmem_shared>>
        %dma_start3A_62 = arith.constant 0 : i32
        %dma_start3A_63 = tpu.memref_slice %arg9[%add3A_34, %dma_start3A_62] : memref<16384x24xf32, #tpu.memory_space<vmem_shared>> -> memref<128x24xf32, #tpu.memory_space<vmem_shared>>
        %dma_start3A_64 = arith.constant 0 : i32
        %dma_start3A_65 = arith.constant 0 : i32
        %dma_start3A_66 = tpu.memref_slice %arg12[%dma_start3A_64, %dma_start3A_65] : memref<128x64xf32, #tpu.memory_space<vmem>> -> memref<128x24xf32, #tpu.memory_space<vmem>>
        tpu.enqueue_dma source(%dma_start3A_66 : memref<128x24xf32, #tpu.memory_space<vmem>>) target(%dma_start3A_63 : memref<128x24xf32, #tpu.memory_space<vmem_shared>>) target_semaphore(%run_scoped3A_57 : memref<!tpu.dma_semaphore, #tpu.memory_space<semaphore_mem>>)
        %dma_wait3A = arith.constant 0 : i32
        %dma_wait3A_67 = arith.constant 0 : i32
        %dma_wait3A_68 = tpu.memref_slice %arg12[%dma_wait3A, %dma_wait3A_67] : memref<128x64xf32, #tpu.memory_space<vmem>> -> memref<128x24xf32, #tpu.memory_space<vmem>>
        %dma_wait3A_69 = arith.constant 0 : i32
        %dma_wait3A_70 = tpu.memref_slice %arg9[%add3A_34, %dma_wait3A_69] : memref<16384x24xf32, #tpu.memory_space<vmem_shared>> -> memref<128x24xf32, #tpu.memory_space<vmem_shared>>
        %dma_wait3A_71 = arith.constant 0 : i32
        %dma_wait3A_72 = tpu.memref_slice %arg9[%add3A_34, %dma_wait3A_71] : memref<16384x24xf32, #tpu.memory_space<vmem_shared>> -> memref<128x24xf32, #tpu.memory_space<vmem_shared>>
        %dma_wait3A_73 = arith.constant 0 : i32
        %dma_wait3A_74 = arith.constant 0 : i32
        %dma_wait3A_75 = tpu.memref_slice %arg12[%dma_wait3A_73, %dma_wait3A_74] : memref<128x64xf32, #tpu.memory_space<vmem>> -> memref<128x24xf32, #tpu.memory_space<vmem>>
        tpu.wait_dma2 semaphore(%run_scoped3A_57 : memref<!tpu.dma_semaphore, #tpu.memory_space<semaphore_mem>>) src(%dma_wait3A_75 : memref<128x24xf32, #tpu.memory_space<vmem>>) dst(%dma_wait3A_72 : memref<128x24xf32, #tpu.memory_space<vmem_shared>>)
        tpu.yield
      }) : () -> ()
      %add3A_35 = arith.constant 128 : i32
      %add3A_36 = arith.addi %mul3A_0, %add3A_35 : i32
      "tpu.region"() ({
        %run_scoped3A_57 = tpu.sem_alloc : memref<!tpu.dma_semaphore, #tpu.memory_space<semaphore_mem>>
        %dma_start3A = arith.constant 0 : i32
        %dma_start3A_58 = arith.constant 0 : i32
        %dma_start3A_59 = tpu.memref_slice %arg12[%dma_start3A, %dma_start3A_58] : memref<128x64xf32, #tpu.memory_space<vmem>> -> memref<128x24xf32, #tpu.memory_space<vmem>>
        %dma_start3A_60 = arith.constant 0 : i32
        %dma_start3A_61 = tpu.memref_slice %arg9[%add3A_36, %dma_start3A_60] : memref<16384x24xf32, #tpu.memory_space<vmem_shared>> -> memref<128x24xf32, #tpu.memory_space<vmem_shared>>
        %dma_start3A_62 = arith.constant 0 : i32
        %dma_start3A_63 = tpu.memref_slice %arg9[%add3A_36, %dma_start3A_62] : memref<16384x24xf32, #tpu.memory_space<vmem_shared>> -> memref<128x24xf32, #tpu.memory_space<vmem_shared>>
        %dma_start3A_64 = arith.constant 0 : i32
        %dma_start3A_65 = arith.constant 0 : i32
        %dma_start3A_66 = tpu.memref_slice %arg12[%dma_start3A_64, %dma_start3A_65] : memref<128x64xf32, #tpu.memory_space<vmem>> -> memref<128x24xf32, #tpu.memory_space<vmem>>
        tpu.enqueue_dma source(%dma_start3A_66 : memref<128x24xf32, #tpu.memory_space<vmem>>) target(%dma_start3A_63 : memref<128x24xf32, #tpu.memory_space<vmem_shared>>) target_semaphore(%run_scoped3A_57 : memref<!tpu.dma_semaphore, #tpu.memory_space<semaphore_mem>>)
        %dma_wait3A = arith.constant 0 : i32
        %dma_wait3A_67 = arith.constant 0 : i32
        %dma_wait3A_68 = tpu.memref_slice %arg12[%dma_wait3A, %dma_wait3A_67] : memref<128x64xf32, #tpu.memory_space<vmem>> -> memref<128x24xf32, #tpu.memory_space<vmem>>
        %dma_wait3A_69 = arith.constant 0 : i32
        %dma_wait3A_70 = tpu.memref_slice %arg9[%add3A_36, %dma_wait3A_69] : memref<16384x24xf32, #tpu.memory_space<vmem_shared>> -> memref<128x24xf32, #tpu.memory_space<vmem_shared>>
        %dma_wait3A_71 = arith.constant 0 : i32
        %dma_wait3A_72 = tpu.memref_slice %arg9[%add3A_36, %dma_wait3A_71] : memref<16384x24xf32, #tpu.memory_space<vmem_shared>> -> memref<128x24xf32, #tpu.memory_space<vmem_shared>>
        %dma_wait3A_73 = arith.constant 0 : i32
        %dma_wait3A_74 = arith.constant 0 : i32
        %dma_wait3A_75 = tpu.memref_slice %arg12[%dma_wait3A_73, %dma_wait3A_74] : memref<128x64xf32, #tpu.memory_space<vmem>> -> memref<128x24xf32, #tpu.memory_space<vmem>>
        tpu.wait_dma2 semaphore(%run_scoped3A_57 : memref<!tpu.dma_semaphore, #tpu.memory_space<semaphore_mem>>) src(%dma_wait3A_75 : memref<128x24xf32, #tpu.memory_space<vmem>>) dst(%dma_wait3A_72 : memref<128x24xf32, #tpu.memory_space<vmem_shared>>)
        tpu.yield
      }) : () -> ()
      %add3A_37 = arith.constant 256 : i32
      %add3A_38 = arith.addi %mul3A_0, %add3A_37 : i32
      "tpu.region"() ({
        %run_scoped3A_57 = tpu.sem_alloc : memref<!tpu.dma_semaphore, #tpu.memory_space<semaphore_mem>>
        %dma_start3A = arith.constant 0 : i32
        %dma_start3A_58 = arith.constant 0 : i32
        %dma_start3A_59 = tpu.memref_slice %arg12[%dma_start3A, %dma_start3A_58] : memref<128x64xf32, #tpu.memory_space<vmem>> -> memref<128x24xf32, #tpu.memory_space<vmem>>
        %dma_start3A_60 = arith.constant 0 : i32
        %dma_start3A_61 = tpu.memref_slice %arg9[%add3A_38, %dma_start3A_60] : memref<16384x24xf32, #tpu.memory_space<vmem_shared>> -> memref<128x24xf32, #tpu.memory_space<vmem_shared>>
        %dma_start3A_62 = arith.constant 0 : i32
        %dma_start3A_63 = tpu.memref_slice %arg9[%add3A_38, %dma_start3A_62] : memref<16384x24xf32, #tpu.memory_space<vmem_shared>> -> memref<128x24xf32, #tpu.memory_space<vmem_shared>>
        %dma_start3A_64 = arith.constant 0 : i32
        %dma_start3A_65 = arith.constant 0 : i32
        %dma_start3A_66 = tpu.memref_slice %arg12[%dma_start3A_64, %dma_start3A_65] : memref<128x64xf32, #tpu.memory_space<vmem>> -> memref<128x24xf32, #tpu.memory_space<vmem>>
        tpu.enqueue_dma source(%dma_start3A_66 : memref<128x24xf32, #tpu.memory_space<vmem>>) target(%dma_start3A_63 : memref<128x24xf32, #tpu.memory_space<vmem_shared>>) target_semaphore(%run_scoped3A_57 : memref<!tpu.dma_semaphore, #tpu.memory_space<semaphore_mem>>)
        %dma_wait3A = arith.constant 0 : i32
        %dma_wait3A_67 = arith.constant 0 : i32
        %dma_wait3A_68 = tpu.memref_slice %arg12[%dma_wait3A, %dma_wait3A_67] : memref<128x64xf32, #tpu.memory_space<vmem>> -> memref<128x24xf32, #tpu.memory_space<vmem>>
        %dma_wait3A_69 = arith.constant 0 : i32
        %dma_wait3A_70 = tpu.memref_slice %arg9[%add3A_38, %dma_wait3A_69] : memref<16384x24xf32, #tpu.memory_space<vmem_shared>> -> memref<128x24xf32, #tpu.memory_space<vmem_shared>>
        %dma_wait3A_71 = arith.constant 0 : i32
        %dma_wait3A_72 = tpu.memref_slice %arg9[%add3A_38, %dma_wait3A_71] : memref<16384x24xf32, #tpu.memory_space<vmem_shared>> -> memref<128x24xf32, #tpu.memory_space<vmem_shared>>
        %dma_wait3A_73 = arith.constant 0 : i32
        %dma_wait3A_74 = arith.constant 0 : i32
        %dma_wait3A_75 = tpu.memref_slice %arg12[%dma_wait3A_73, %dma_wait3A_74] : memref<128x64xf32, #tpu.memory_space<vmem>> -> memref<128x24xf32, #tpu.memory_space<vmem>>
        tpu.wait_dma2 semaphore(%run_scoped3A_57 : memref<!tpu.dma_semaphore, #tpu.memory_space<semaphore_mem>>) src(%dma_wait3A_75 : memref<128x24xf32, #tpu.memory_space<vmem>>) dst(%dma_wait3A_72 : memref<128x24xf32, #tpu.memory_space<vmem_shared>>)
        tpu.yield
      }) : () -> ()
      %add3A_39 = arith.constant 384 : i32
      %add3A_40 = arith.addi %mul3A_0, %add3A_39 : i32
      "tpu.region"() ({
        %run_scoped3A_57 = tpu.sem_alloc : memref<!tpu.dma_semaphore, #tpu.memory_space<semaphore_mem>>
        %dma_start3A = arith.constant 0 : i32
        %dma_start3A_58 = arith.constant 0 : i32
        %dma_start3A_59 = tpu.memref_slice %arg12[%dma_start3A, %dma_start3A_58] : memref<128x64xf32, #tpu.memory_space<vmem>> -> memref<128x24xf32, #tpu.memory_space<vmem>>
        %dma_start3A_60 = arith.constant 0 : i32
        %dma_start3A_61 = tpu.memref_slice %arg9[%add3A_40, %dma_start3A_60] : memref<16384x24xf32, #tpu.memory_space<vmem_shared>> -> memref<128x24xf32, #tpu.memory_space<vmem_shared>>
        %dma_start3A_62 = arith.constant 0 : i32
        %dma_start3A_63 = tpu.memref_slice %arg9[%add3A_40, %dma_start3A_62] : memref<16384x24xf32, #tpu.memory_space<vmem_shared>> -> memref<128x24xf32, #tpu.memory_space<vmem_shared>>
        %dma_start3A_64 = arith.constant 0 : i32
        %dma_start3A_65 = arith.constant 0 : i32
        %dma_start3A_66 = tpu.memref_slice %arg12[%dma_start3A_64, %dma_start3A_65] : memref<128x64xf32, #tpu.memory_space<vmem>> -> memref<128x24xf32, #tpu.memory_space<vmem>>
        tpu.enqueue_dma source(%dma_start3A_66 : memref<128x24xf32, #tpu.memory_space<vmem>>) target(%dma_start3A_63 : memref<128x24xf32, #tpu.memory_space<vmem_shared>>) target_semaphore(%run_scoped3A_57 : memref<!tpu.dma_semaphore, #tpu.memory_space<semaphore_mem>>)
        %dma_wait3A = arith.constant 0 : i32
        %dma_wait3A_67 = arith.constant 0 : i32
        %dma_wait3A_68 = tpu.memref_slice %arg12[%dma_wait3A, %dma_wait3A_67] : memref<128x64xf32, #tpu.memory_space<vmem>> -> memref<128x24xf32, #tpu.memory_space<vmem>>
        %dma_wait3A_69 = arith.constant 0 : i32
        %dma_wait3A_70 = tpu.memref_slice %arg9[%add3A_40, %dma_wait3A_69] : memref<16384x24xf32, #tpu.memory_space<vmem_shared>> -> memref<128x24xf32, #tpu.memory_space<vmem_shared>>
        %dma_wait3A_71 = arith.constant 0 : i32
        %dma_wait3A_72 = tpu.memref_slice %arg9[%add3A_40, %dma_wait3A_71] : memref<16384x24xf32, #tpu.memory_space<vmem_shared>> -> memref<128x24xf32, #tpu.memory_space<vmem_shared>>
        %dma_wait3A_73 = arith.constant 0 : i32
        %dma_wait3A_74 = arith.constant 0 : i32
        %dma_wait3A_75 = tpu.memref_slice %arg12[%dma_wait3A_73, %dma_wait3A_74] : memref<128x64xf32, #tpu.memory_space<vmem>> -> memref<128x24xf32, #tpu.memory_space<vmem>>
        tpu.wait_dma2 semaphore(%run_scoped3A_57 : memref<!tpu.dma_semaphore, #tpu.memory_space<semaphore_mem>>) src(%dma_wait3A_75 : memref<128x24xf32, #tpu.memory_space<vmem>>) dst(%dma_wait3A_72 : memref<128x24xf32, #tpu.memory_space<vmem_shared>>)
        tpu.yield
      }) : () -> ()
      %add3A_41 = arith.constant 512 : i32
      %add3A_42 = arith.addi %mul3A_0, %add3A_41 : i32
      "tpu.region"() ({
        %run_scoped3A_57 = tpu.sem_alloc : memref<!tpu.dma_semaphore, #tpu.memory_space<semaphore_mem>>
        %dma_start3A = arith.constant 0 : i32
        %dma_start3A_58 = arith.constant 0 : i32
        %dma_start3A_59 = tpu.memref_slice %arg12[%dma_start3A, %dma_start3A_58] : memref<128x64xf32, #tpu.memory_space<vmem>> -> memref<128x24xf32, #tpu.memory_space<vmem>>
        %dma_start3A_60 = arith.constant 0 : i32
        %dma_start3A_61 = tpu.memref_slice %arg9[%add3A_42, %dma_start3A_60] : memref<16384x24xf32, #tpu.memory_space<vmem_shared>> -> memref<128x24xf32, #tpu.memory_space<vmem_shared>>
        %dma_start3A_62 = arith.constant 0 : i32
        %dma_start3A_63 = tpu.memref_slice %arg9[%add3A_42, %dma_start3A_62] : memref<16384x24xf32, #tpu.memory_space<vmem_shared>> -> memref<128x24xf32, #tpu.memory_space<vmem_shared>>
        %dma_start3A_64 = arith.constant 0 : i32
        %dma_start3A_65 = arith.constant 0 : i32
        %dma_start3A_66 = tpu.memref_slice %arg12[%dma_start3A_64, %dma_start3A_65] : memref<128x64xf32, #tpu.memory_space<vmem>> -> memref<128x24xf32, #tpu.memory_space<vmem>>
        tpu.enqueue_dma source(%dma_start3A_66 : memref<128x24xf32, #tpu.memory_space<vmem>>) target(%dma_start3A_63 : memref<128x24xf32, #tpu.memory_space<vmem_shared>>) target_semaphore(%run_scoped3A_57 : memref<!tpu.dma_semaphore, #tpu.memory_space<semaphore_mem>>)
        %dma_wait3A = arith.constant 0 : i32
        %dma_wait3A_67 = arith.constant 0 : i32
        %dma_wait3A_68 = tpu.memref_slice %arg12[%dma_wait3A, %dma_wait3A_67] : memref<128x64xf32, #tpu.memory_space<vmem>> -> memref<128x24xf32, #tpu.memory_space<vmem>>
        %dma_wait3A_69 = arith.constant 0 : i32
        %dma_wait3A_70 = tpu.memref_slice %arg9[%add3A_42, %dma_wait3A_69] : memref<16384x24xf32, #tpu.memory_space<vmem_shared>> -> memref<128x24xf32, #tpu.memory_space<vmem_shared>>
        %dma_wait3A_71 = arith.constant 0 : i32
        %dma_wait3A_72 = tpu.memref_slice %arg9[%add3A_42, %dma_wait3A_71] : memref<16384x24xf32, #tpu.memory_space<vmem_shared>> -> memref<128x24xf32, #tpu.memory_space<vmem_shared>>
        %dma_wait3A_73 = arith.constant 0 : i32
        %dma_wait3A_74 = arith.constant 0 : i32
        %dma_wait3A_75 = tpu.memref_slice %arg12[%dma_wait3A_73, %dma_wait3A_74] : memref<128x64xf32, #tpu.memory_space<vmem>> -> memref<128x24xf32, #tpu.memory_space<vmem>>
        tpu.wait_dma2 semaphore(%run_scoped3A_57 : memref<!tpu.dma_semaphore, #tpu.memory_space<semaphore_mem>>) src(%dma_wait3A_75 : memref<128x24xf32, #tpu.memory_space<vmem>>) dst(%dma_wait3A_72 : memref<128x24xf32, #tpu.memory_space<vmem_shared>>)
        tpu.yield
      }) : () -> ()
      %add3A_43 = arith.constant 640 : i32
      %add3A_44 = arith.addi %mul3A_0, %add3A_43 : i32
      "tpu.region"() ({
        %run_scoped3A_57 = tpu.sem_alloc : memref<!tpu.dma_semaphore, #tpu.memory_space<semaphore_mem>>
        %dma_start3A = arith.constant 0 : i32
        %dma_start3A_58 = arith.constant 0 : i32
        %dma_start3A_59 = tpu.memref_slice %arg12[%dma_start3A, %dma_start3A_58] : memref<128x64xf32, #tpu.memory_space<vmem>> -> memref<128x24xf32, #tpu.memory_space<vmem>>
        %dma_start3A_60 = arith.constant 0 : i32
        %dma_start3A_61 = tpu.memref_slice %arg9[%add3A_44, %dma_start3A_60] : memref<16384x24xf32, #tpu.memory_space<vmem_shared>> -> memref<128x24xf32, #tpu.memory_space<vmem_shared>>
        %dma_start3A_62 = arith.constant 0 : i32
        %dma_start3A_63 = tpu.memref_slice %arg9[%add3A_44, %dma_start3A_62] : memref<16384x24xf32, #tpu.memory_space<vmem_shared>> -> memref<128x24xf32, #tpu.memory_space<vmem_shared>>
        %dma_start3A_64 = arith.constant 0 : i32
        %dma_start3A_65 = arith.constant 0 : i32
        %dma_start3A_66 = tpu.memref_slice %arg12[%dma_start3A_64, %dma_start3A_65] : memref<128x64xf32, #tpu.memory_space<vmem>> -> memref<128x24xf32, #tpu.memory_space<vmem>>
        tpu.enqueue_dma source(%dma_start3A_66 : memref<128x24xf32, #tpu.memory_space<vmem>>) target(%dma_start3A_63 : memref<128x24xf32, #tpu.memory_space<vmem_shared>>) target_semaphore(%run_scoped3A_57 : memref<!tpu.dma_semaphore, #tpu.memory_space<semaphore_mem>>)
        %dma_wait3A = arith.constant 0 : i32
        %dma_wait3A_67 = arith.constant 0 : i32
        %dma_wait3A_68 = tpu.memref_slice %arg12[%dma_wait3A, %dma_wait3A_67] : memref<128x64xf32, #tpu.memory_space<vmem>> -> memref<128x24xf32, #tpu.memory_space<vmem>>
        %dma_wait3A_69 = arith.constant 0 : i32
        %dma_wait3A_70 = tpu.memref_slice %arg9[%add3A_44, %dma_wait3A_69] : memref<16384x24xf32, #tpu.memory_space<vmem_shared>> -> memref<128x24xf32, #tpu.memory_space<vmem_shared>>
        %dma_wait3A_71 = arith.constant 0 : i32
        %dma_wait3A_72 = tpu.memref_slice %arg9[%add3A_44, %dma_wait3A_71] : memref<16384x24xf32, #tpu.memory_space<vmem_shared>> -> memref<128x24xf32, #tpu.memory_space<vmem_shared>>
        %dma_wait3A_73 = arith.constant 0 : i32
        %dma_wait3A_74 = arith.constant 0 : i32
        %dma_wait3A_75 = tpu.memref_slice %arg12[%dma_wait3A_73, %dma_wait3A_74] : memref<128x64xf32, #tpu.memory_space<vmem>> -> memref<128x24xf32, #tpu.memory_space<vmem>>
        tpu.wait_dma2 semaphore(%run_scoped3A_57 : memref<!tpu.dma_semaphore, #tpu.memory_space<semaphore_mem>>) src(%dma_wait3A_75 : memref<128x24xf32, #tpu.memory_space<vmem>>) dst(%dma_wait3A_72 : memref<128x24xf32, #tpu.memory_space<vmem_shared>>)
        tpu.yield
      }) : () -> ()
      %add3A_45 = arith.constant 768 : i32
      %add3A_46 = arith.addi %mul3A_0, %add3A_45 : i32
      "tpu.region"() ({
        %run_scoped3A_57 = tpu.sem_alloc : memref<!tpu.dma_semaphore, #tpu.memory_space<semaphore_mem>>
        %dma_start3A = arith.constant 0 : i32
        %dma_start3A_58 = arith.constant 0 : i32
        %dma_start3A_59 = tpu.memref_slice %arg12[%dma_start3A, %dma_start3A_58] : memref<128x64xf32, #tpu.memory_space<vmem>> -> memref<128x24xf32, #tpu.memory_space<vmem>>
        %dma_start3A_60 = arith.constant 0 : i32
        %dma_start3A_61 = tpu.memref_slice %arg9[%add3A_46, %dma_start3A_60] : memref<16384x24xf32, #tpu.memory_space<vmem_shared>> -> memref<128x24xf32, #tpu.memory_space<vmem_shared>>
        %dma_start3A_62 = arith.constant 0 : i32
        %dma_start3A_63 = tpu.memref_slice %arg9[%add3A_46, %dma_start3A_62] : memref<16384x24xf32, #tpu.memory_space<vmem_shared>> -> memref<128x24xf32, #tpu.memory_space<vmem_shared>>
        %dma_start3A_64 = arith.constant 0 : i32
        %dma_start3A_65 = arith.constant 0 : i32
        %dma_start3A_66 = tpu.memref_slice %arg12[%dma_start3A_64, %dma_start3A_65] : memref<128x64xf32, #tpu.memory_space<vmem>> -> memref<128x24xf32, #tpu.memory_space<vmem>>
        tpu.enqueue_dma source(%dma_start3A_66 : memref<128x24xf32, #tpu.memory_space<vmem>>) target(%dma_start3A_63 : memref<128x24xf32, #tpu.memory_space<vmem_shared>>) target_semaphore(%run_scoped3A_57 : memref<!tpu.dma_semaphore, #tpu.memory_space<semaphore_mem>>)
        %dma_wait3A = arith.constant 0 : i32
        %dma_wait3A_67 = arith.constant 0 : i32
        %dma_wait3A_68 = tpu.memref_slice %arg12[%dma_wait3A, %dma_wait3A_67] : memref<128x64xf32, #tpu.memory_space<vmem>> -> memref<128x24xf32, #tpu.memory_space<vmem>>
        %dma_wait3A_69 = arith.constant 0 : i32
        %dma_wait3A_70 = tpu.memref_slice %arg9[%add3A_46, %dma_wait3A_69] : memref<16384x24xf32, #tpu.memory_space<vmem_shared>> -> memref<128x24xf32, #tpu.memory_space<vmem_shared>>
        %dma_wait3A_71 = arith.constant 0 : i32
        %dma_wait3A_72 = tpu.memref_slice %arg9[%add3A_46, %dma_wait3A_71] : memref<16384x24xf32, #tpu.memory_space<vmem_shared>> -> memref<128x24xf32, #tpu.memory_space<vmem_shared>>
        %dma_wait3A_73 = arith.constant 0 : i32
        %dma_wait3A_74 = arith.constant 0 : i32
        %dma_wait3A_75 = tpu.memref_slice %arg12[%dma_wait3A_73, %dma_wait3A_74] : memref<128x64xf32, #tpu.memory_space<vmem>> -> memref<128x24xf32, #tpu.memory_space<vmem>>
        tpu.wait_dma2 semaphore(%run_scoped3A_57 : memref<!tpu.dma_semaphore, #tpu.memory_space<semaphore_mem>>) src(%dma_wait3A_75 : memref<128x24xf32, #tpu.memory_space<vmem>>) dst(%dma_wait3A_72 : memref<128x24xf32, #tpu.memory_space<vmem_shared>>)
        tpu.yield
      }) : () -> ()
      %add3A_47 = arith.constant 896 : i32
      %add3A_48 = arith.addi %mul3A_0, %add3A_47 : i32
      "tpu.region"() ({
        %run_scoped3A_57 = tpu.sem_alloc : memref<!tpu.dma_semaphore, #tpu.memory_space<semaphore_mem>>
        %dma_start3A = arith.constant 0 : i32
        %dma_start3A_58 = arith.constant 0 : i32
        %dma_start3A_59 = tpu.memref_slice %arg12[%dma_start3A, %dma_start3A_58] : memref<128x64xf32, #tpu.memory_space<vmem>> -> memref<128x24xf32, #tpu.memory_space<vmem>>
        %dma_start3A_60 = arith.constant 0 : i32
        %dma_start3A_61 = tpu.memref_slice %arg9[%add3A_48, %dma_start3A_60] : memref<16384x24xf32, #tpu.memory_space<vmem_shared>> -> memref<128x24xf32, #tpu.memory_space<vmem_shared>>
        %dma_start3A_62 = arith.constant 0 : i32
        %dma_start3A_63 = tpu.memref_slice %arg9[%add3A_48, %dma_start3A_62] : memref<16384x24xf32, #tpu.memory_space<vmem_shared>> -> memref<128x24xf32, #tpu.memory_space<vmem_shared>>
        %dma_start3A_64 = arith.constant 0 : i32
        %dma_start3A_65 = arith.constant 0 : i32
        %dma_start3A_66 = tpu.memref_slice %arg12[%dma_start3A_64, %dma_start3A_65] : memref<128x64xf32, #tpu.memory_space<vmem>> -> memref<128x24xf32, #tpu.memory_space<vmem>>
        tpu.enqueue_dma source(%dma_start3A_66 : memref<128x24xf32, #tpu.memory_space<vmem>>) target(%dma_start3A_63 : memref<128x24xf32, #tpu.memory_space<vmem_shared>>) target_semaphore(%run_scoped3A_57 : memref<!tpu.dma_semaphore, #tpu.memory_space<semaphore_mem>>)
        %dma_wait3A = arith.constant 0 : i32
        %dma_wait3A_67 = arith.constant 0 : i32
        %dma_wait3A_68 = tpu.memref_slice %arg12[%dma_wait3A, %dma_wait3A_67] : memref<128x64xf32, #tpu.memory_space<vmem>> -> memref<128x24xf32, #tpu.memory_space<vmem>>
        %dma_wait3A_69 = arith.constant 0 : i32
        %dma_wait3A_70 = tpu.memref_slice %arg9[%add3A_48, %dma_wait3A_69] : memref<16384x24xf32, #tpu.memory_space<vmem_shared>> -> memref<128x24xf32, #tpu.memory_space<vmem_shared>>
        %dma_wait3A_71 = arith.constant 0 : i32
        %dma_wait3A_72 = tpu.memref_slice %arg9[%add3A_48, %dma_wait3A_71] : memref<16384x24xf32, #tpu.memory_space<vmem_shared>> -> memref<128x24xf32, #tpu.memory_space<vmem_shared>>
        %dma_wait3A_73 = arith.constant 0 : i32
        %dma_wait3A_74 = arith.constant 0 : i32
        %dma_wait3A_75 = tpu.memref_slice %arg12[%dma_wait3A_73, %dma_wait3A_74] : memref<128x64xf32, #tpu.memory_space<vmem>> -> memref<128x24xf32, #tpu.memory_space<vmem>>
        tpu.wait_dma2 semaphore(%run_scoped3A_57 : memref<!tpu.dma_semaphore, #tpu.memory_space<semaphore_mem>>) src(%dma_wait3A_75 : memref<128x24xf32, #tpu.memory_space<vmem>>) dst(%dma_wait3A_72 : memref<128x24xf32, #tpu.memory_space<vmem_shared>>)
        tpu.yield
      }) : () -> ()
      %barrier3A = arith.constant 0 : index
      tpu.barrier barrier_id(%barrier3A)
      %run_scoped3A = arith.constant 0 : i32
      "tpu.region"() ({
        %run_scoped3A_57 = tpu.sem_alloc : memref<!tpu.dma_semaphore, #tpu.memory_space<semaphore_mem>>
        %dma_start3A = arith.constant 0 : i32
        %dma_start3A_58 = tpu.memref_slice %arg14[%run_scoped3A, %dma_start3A] : memref<8x128xi32, #tpu.memory_space<vmem>> -> memref<1x128xi32, #tpu.memory_space<vmem>>
        %dma_start3A_59 = tpu.memref_squeeze %dma_start3A_58 : memref<1x128xi32, #tpu.memory_space<vmem>> -> memref<128xi32, #tpu.memory_space<vmem>>
        %dma_start3A_60 = arith.constant 0 : i32
        %dma_start3A_61 = arith.constant 0 : i32
        %dma_start3A_62 = tpu.memref_slice %arg9[%dma_start3A_60, %dma_start3A_61] : memref<16384x24xf32, #tpu.memory_space<vmem_shared>> -> memref<16384x24xf32, #tpu.memory_space<vmem_shared>>
        tpu.enqueue_indirect_dma source(%arg13 : memref<128x24xf32, #tpu.memory_space<vmem>>) target(%dma_start3A_62 : memref<16384x24xf32, #tpu.memory_space<vmem_shared>>) offsets(%dma_start3A_59 : memref<128xi32, #tpu.memory_space<vmem>>) semaphore(%run_scoped3A_57 : memref<!tpu.dma_semaphore, #tpu.memory_space<semaphore_mem>>) {add = true}
        %dma_wait3A = arith.constant 0 : i32
        %dma_wait3A_63 = tpu.memref_slice %arg14[%run_scoped3A, %dma_wait3A] : memref<8x128xi32, #tpu.memory_space<vmem>> -> memref<1x128xi32, #tpu.memory_space<vmem>>
        %dma_wait3A_64 = tpu.memref_squeeze %dma_wait3A_63 : memref<1x128xi32, #tpu.memory_space<vmem>> -> memref<128xi32, #tpu.memory_space<vmem>>
        %dma_wait3A_65 = arith.constant 0 : i32
        %dma_wait3A_66 = arith.constant 0 : i32
        %dma_wait3A_67 = tpu.memref_slice %arg9[%dma_wait3A_65, %dma_wait3A_66] : memref<16384x24xf32, #tpu.memory_space<vmem_shared>> -> memref<16384x24xf32, #tpu.memory_space<vmem_shared>>
        tpu.wait_indirect_dma semaphore(%run_scoped3A_57 : memref<!tpu.dma_semaphore, #tpu.memory_space<semaphore_mem>>) src(%arg13 : memref<128x24xf32, #tpu.memory_space<vmem>>) dst(%dma_wait3A_67 : memref<16384x24xf32, #tpu.memory_space<vmem_shared>>)
        tpu.yield
      }) : () -> ()
      %run_scoped3A_49 = arith.constant 1 : i32
      "tpu.region"() ({
        %run_scoped3A_57 = tpu.sem_alloc : memref<!tpu.dma_semaphore, #tpu.memory_space<semaphore_mem>>
        %dma_start3A = arith.constant 0 : i32
        %dma_start3A_58 = tpu.memref_slice %arg14[%run_scoped3A_49, %dma_start3A] : memref<8x128xi32, #tpu.memory_space<vmem>> -> memref<1x128xi32, #tpu.memory_space<vmem>>
        %dma_start3A_59 = tpu.memref_squeeze %dma_start3A_58 : memref<1x128xi32, #tpu.memory_space<vmem>> -> memref<128xi32, #tpu.memory_space<vmem>>
        %dma_start3A_60 = arith.constant 0 : i32
        %dma_start3A_61 = arith.constant 0 : i32
        %dma_start3A_62 = tpu.memref_slice %arg9[%dma_start3A_60, %dma_start3A_61] : memref<16384x24xf32, #tpu.memory_space<vmem_shared>> -> memref<16384x24xf32, #tpu.memory_space<vmem_shared>>
        tpu.enqueue_indirect_dma source(%arg13 : memref<128x24xf32, #tpu.memory_space<vmem>>) target(%dma_start3A_62 : memref<16384x24xf32, #tpu.memory_space<vmem_shared>>) offsets(%dma_start3A_59 : memref<128xi32, #tpu.memory_space<vmem>>) semaphore(%run_scoped3A_57 : memref<!tpu.dma_semaphore, #tpu.memory_space<semaphore_mem>>) {add = true}
        %dma_wait3A = arith.constant 0 : i32
        %dma_wait3A_63 = tpu.memref_slice %arg14[%run_scoped3A_49, %dma_wait3A] : memref<8x128xi32, #tpu.memory_space<vmem>> -> memref<1x128xi32, #tpu.memory_space<vmem>>
        %dma_wait3A_64 = tpu.memref_squeeze %dma_wait3A_63 : memref<1x128xi32, #tpu.memory_space<vmem>> -> memref<128xi32, #tpu.memory_space<vmem>>
        %dma_wait3A_65 = arith.constant 0 : i32
        %dma_wait3A_66 = arith.constant 0 : i32
        %dma_wait3A_67 = tpu.memref_slice %arg9[%dma_wait3A_65, %dma_wait3A_66] : memref<16384x24xf32, #tpu.memory_space<vmem_shared>> -> memref<16384x24xf32, #tpu.memory_space<vmem_shared>>
        tpu.wait_indirect_dma semaphore(%run_scoped3A_57 : memref<!tpu.dma_semaphore, #tpu.memory_space<semaphore_mem>>) src(%arg13 : memref<128x24xf32, #tpu.memory_space<vmem>>) dst(%dma_wait3A_67 : memref<16384x24xf32, #tpu.memory_space<vmem_shared>>)
        tpu.yield
      }) : () -> ()
      %run_scoped3A_50 = arith.constant 2 : i32
      "tpu.region"() ({
        %run_scoped3A_57 = tpu.sem_alloc : memref<!tpu.dma_semaphore, #tpu.memory_space<semaphore_mem>>
        %dma_start3A = arith.constant 0 : i32
        %dma_start3A_58 = tpu.memref_slice %arg14[%run_scoped3A_50, %dma_start3A] : memref<8x128xi32, #tpu.memory_space<vmem>> -> memref<1x128xi32, #tpu.memory_space<vmem>>
        %dma_start3A_59 = tpu.memref_squeeze %dma_start3A_58 : memref<1x128xi32, #tpu.memory_space<vmem>> -> memref<128xi32, #tpu.memory_space<vmem>>
        %dma_start3A_60 = arith.constant 0 : i32
        %dma_start3A_61 = arith.constant 0 : i32
        %dma_start3A_62 = tpu.memref_slice %arg9[%dma_start3A_60, %dma_start3A_61] : memref<16384x24xf32, #tpu.memory_space<vmem_shared>> -> memref<16384x24xf32, #tpu.memory_space<vmem_shared>>
        tpu.enqueue_indirect_dma source(%arg13 : memref<128x24xf32, #tpu.memory_space<vmem>>) target(%dma_start3A_62 : memref<16384x24xf32, #tpu.memory_space<vmem_shared>>) offsets(%dma_start3A_59 : memref<128xi32, #tpu.memory_space<vmem>>) semaphore(%run_scoped3A_57 : memref<!tpu.dma_semaphore, #tpu.memory_space<semaphore_mem>>) {add = true}
        %dma_wait3A = arith.constant 0 : i32
        %dma_wait3A_63 = tpu.memref_slice %arg14[%run_scoped3A_50, %dma_wait3A] : memref<8x128xi32, #tpu.memory_space<vmem>> -> memref<1x128xi32, #tpu.memory_space<vmem>>
        %dma_wait3A_64 = tpu.memref_squeeze %dma_wait3A_63 : memref<1x128xi32, #tpu.memory_space<vmem>> -> memref<128xi32, #tpu.memory_space<vmem>>
        %dma_wait3A_65 = arith.constant 0 : i32
        %dma_wait3A_66 = arith.constant 0 : i32
        %dma_wait3A_67 = tpu.memref_slice %arg9[%dma_wait3A_65, %dma_wait3A_66] : memref<16384x24xf32, #tpu.memory_space<vmem_shared>> -> memref<16384x24xf32, #tpu.memory_space<vmem_shared>>
        tpu.wait_indirect_dma semaphore(%run_scoped3A_57 : memref<!tpu.dma_semaphore, #tpu.memory_space<semaphore_mem>>) src(%arg13 : memref<128x24xf32, #tpu.memory_space<vmem>>) dst(%dma_wait3A_67 : memref<16384x24xf32, #tpu.memory_space<vmem_shared>>)
        tpu.yield
      }) : () -> ()
      %run_scoped3A_51 = arith.constant 3 : i32
      "tpu.region"() ({
        %run_scoped3A_57 = tpu.sem_alloc : memref<!tpu.dma_semaphore, #tpu.memory_space<semaphore_mem>>
        %dma_start3A = arith.constant 0 : i32
        %dma_start3A_58 = tpu.memref_slice %arg14[%run_scoped3A_51, %dma_start3A] : memref<8x128xi32, #tpu.memory_space<vmem>> -> memref<1x128xi32, #tpu.memory_space<vmem>>
        %dma_start3A_59 = tpu.memref_squeeze %dma_start3A_58 : memref<1x128xi32, #tpu.memory_space<vmem>> -> memref<128xi32, #tpu.memory_space<vmem>>
        %dma_start3A_60 = arith.constant 0 : i32
        %dma_start3A_61 = arith.constant 0 : i32
        %dma_start3A_62 = tpu.memref_slice %arg9[%dma_start3A_60, %dma_start3A_61] : memref<16384x24xf32, #tpu.memory_space<vmem_shared>> -> memref<16384x24xf32, #tpu.memory_space<vmem_shared>>
        tpu.enqueue_indirect_dma source(%arg13 : memref<128x24xf32, #tpu.memory_space<vmem>>) target(%dma_start3A_62 : memref<16384x24xf32, #tpu.memory_space<vmem_shared>>) offsets(%dma_start3A_59 : memref<128xi32, #tpu.memory_space<vmem>>) semaphore(%run_scoped3A_57 : memref<!tpu.dma_semaphore, #tpu.memory_space<semaphore_mem>>) {add = true}
        %dma_wait3A = arith.constant 0 : i32
        %dma_wait3A_63 = tpu.memref_slice %arg14[%run_scoped3A_51, %dma_wait3A] : memref<8x128xi32, #tpu.memory_space<vmem>> -> memref<1x128xi32, #tpu.memory_space<vmem>>
        %dma_wait3A_64 = tpu.memref_squeeze %dma_wait3A_63 : memref<1x128xi32, #tpu.memory_space<vmem>> -> memref<128xi32, #tpu.memory_space<vmem>>
        %dma_wait3A_65 = arith.constant 0 : i32
        %dma_wait3A_66 = arith.constant 0 : i32
        %dma_wait3A_67 = tpu.memref_slice %arg9[%dma_wait3A_65, %dma_wait3A_66] : memref<16384x24xf32, #tpu.memory_space<vmem_shared>> -> memref<16384x24xf32, #tpu.memory_space<vmem_shared>>
        tpu.wait_indirect_dma semaphore(%run_scoped3A_57 : memref<!tpu.dma_semaphore, #tpu.memory_space<semaphore_mem>>) src(%arg13 : memref<128x24xf32, #tpu.memory_space<vmem>>) dst(%dma_wait3A_67 : memref<16384x24xf32, #tpu.memory_space<vmem_shared>>)
        tpu.yield
      }) : () -> ()
      %run_scoped3A_52 = arith.constant 4 : i32
      "tpu.region"() ({
        %run_scoped3A_57 = tpu.sem_alloc : memref<!tpu.dma_semaphore, #tpu.memory_space<semaphore_mem>>
        %dma_start3A = arith.constant 0 : i32
        %dma_start3A_58 = tpu.memref_slice %arg14[%run_scoped3A_52, %dma_start3A] : memref<8x128xi32, #tpu.memory_space<vmem>> -> memref<1x128xi32, #tpu.memory_space<vmem>>
        %dma_start3A_59 = tpu.memref_squeeze %dma_start3A_58 : memref<1x128xi32, #tpu.memory_space<vmem>> -> memref<128xi32, #tpu.memory_space<vmem>>
        %dma_start3A_60 = arith.constant 0 : i32
        %dma_start3A_61 = arith.constant 0 : i32
        %dma_start3A_62 = tpu.memref_slice %arg9[%dma_start3A_60, %dma_start3A_61] : memref<16384x24xf32, #tpu.memory_space<vmem_shared>> -> memref<16384x24xf32, #tpu.memory_space<vmem_shared>>
        tpu.enqueue_indirect_dma source(%arg13 : memref<128x24xf32, #tpu.memory_space<vmem>>) target(%dma_start3A_62 : memref<16384x24xf32, #tpu.memory_space<vmem_shared>>) offsets(%dma_start3A_59 : memref<128xi32, #tpu.memory_space<vmem>>) semaphore(%run_scoped3A_57 : memref<!tpu.dma_semaphore, #tpu.memory_space<semaphore_mem>>) {add = true}
        %dma_wait3A = arith.constant 0 : i32
        %dma_wait3A_63 = tpu.memref_slice %arg14[%run_scoped3A_52, %dma_wait3A] : memref<8x128xi32, #tpu.memory_space<vmem>> -> memref<1x128xi32, #tpu.memory_space<vmem>>
        %dma_wait3A_64 = tpu.memref_squeeze %dma_wait3A_63 : memref<1x128xi32, #tpu.memory_space<vmem>> -> memref<128xi32, #tpu.memory_space<vmem>>
        %dma_wait3A_65 = arith.constant 0 : i32
        %dma_wait3A_66 = arith.constant 0 : i32
        %dma_wait3A_67 = tpu.memref_slice %arg9[%dma_wait3A_65, %dma_wait3A_66] : memref<16384x24xf32, #tpu.memory_space<vmem_shared>> -> memref<16384x24xf32, #tpu.memory_space<vmem_shared>>
        tpu.wait_indirect_dma semaphore(%run_scoped3A_57 : memref<!tpu.dma_semaphore, #tpu.memory_space<semaphore_mem>>) src(%arg13 : memref<128x24xf32, #tpu.memory_space<vmem>>) dst(%dma_wait3A_67 : memref<16384x24xf32, #tpu.memory_space<vmem_shared>>)
        tpu.yield
      }) : () -> ()
      %run_scoped3A_53 = arith.constant 5 : i32
      "tpu.region"() ({
        %run_scoped3A_57 = tpu.sem_alloc : memref<!tpu.dma_semaphore, #tpu.memory_space<semaphore_mem>>
        %dma_start3A = arith.constant 0 : i32
        %dma_start3A_58 = tpu.memref_slice %arg14[%run_scoped3A_53, %dma_start3A] : memref<8x128xi32, #tpu.memory_space<vmem>> -> memref<1x128xi32, #tpu.memory_space<vmem>>
        %dma_start3A_59 = tpu.memref_squeeze %dma_start3A_58 : memref<1x128xi32, #tpu.memory_space<vmem>> -> memref<128xi32, #tpu.memory_space<vmem>>
        %dma_start3A_60 = arith.constant 0 : i32
        %dma_start3A_61 = arith.constant 0 : i32
        %dma_start3A_62 = tpu.memref_slice %arg9[%dma_start3A_60, %dma_start3A_61] : memref<16384x24xf32, #tpu.memory_space<vmem_shared>> -> memref<16384x24xf32, #tpu.memory_space<vmem_shared>>
        tpu.enqueue_indirect_dma source(%arg13 : memref<128x24xf32, #tpu.memory_space<vmem>>) target(%dma_start3A_62 : memref<16384x24xf32, #tpu.memory_space<vmem_shared>>) offsets(%dma_start3A_59 : memref<128xi32, #tpu.memory_space<vmem>>) semaphore(%run_scoped3A_57 : memref<!tpu.dma_semaphore, #tpu.memory_space<semaphore_mem>>) {add = true}
        %dma_wait3A = arith.constant 0 : i32
        %dma_wait3A_63 = tpu.memref_slice %arg14[%run_scoped3A_53, %dma_wait3A] : memref<8x128xi32, #tpu.memory_space<vmem>> -> memref<1x128xi32, #tpu.memory_space<vmem>>
        %dma_wait3A_64 = tpu.memref_squeeze %dma_wait3A_63 : memref<1x128xi32, #tpu.memory_space<vmem>> -> memref<128xi32, #tpu.memory_space<vmem>>
        %dma_wait3A_65 = arith.constant 0 : i32
        %dma_wait3A_66 = arith.constant 0 : i32
        %dma_wait3A_67 = tpu.memref_slice %arg9[%dma_wait3A_65, %dma_wait3A_66] : memref<16384x24xf32, #tpu.memory_space<vmem_shared>> -> memref<16384x24xf32, #tpu.memory_space<vmem_shared>>
        tpu.wait_indirect_dma semaphore(%run_scoped3A_57 : memref<!tpu.dma_semaphore, #tpu.memory_space<semaphore_mem>>) src(%arg13 : memref<128x24xf32, #tpu.memory_space<vmem>>) dst(%dma_wait3A_67 : memref<16384x24xf32, #tpu.memory_space<vmem_shared>>)
        tpu.yield
      }) : () -> ()
      %run_scoped3A_54 = arith.constant 6 : i32
      "tpu.region"() ({
        %run_scoped3A_57 = tpu.sem_alloc : memref<!tpu.dma_semaphore, #tpu.memory_space<semaphore_mem>>
        %dma_start3A = arith.constant 0 : i32
        %dma_start3A_58 = tpu.memref_slice %arg14[%run_scoped3A_54, %dma_start3A] : memref<8x128xi32, #tpu.memory_space<vmem>> -> memref<1x128xi32, #tpu.memory_space<vmem>>
        %dma_start3A_59 = tpu.memref_squeeze %dma_start3A_58 : memref<1x128xi32, #tpu.memory_space<vmem>> -> memref<128xi32, #tpu.memory_space<vmem>>
        %dma_start3A_60 = arith.constant 0 : i32
        %dma_start3A_61 = arith.constant 0 : i32
        %dma_start3A_62 = tpu.memref_slice %arg9[%dma_start3A_60, %dma_start3A_61] : memref<16384x24xf32, #tpu.memory_space<vmem_shared>> -> memref<16384x24xf32, #tpu.memory_space<vmem_shared>>
        tpu.enqueue_indirect_dma source(%arg13 : memref<128x24xf32, #tpu.memory_space<vmem>>) target(%dma_start3A_62 : memref<16384x24xf32, #tpu.memory_space<vmem_shared>>) offsets(%dma_start3A_59 : memref<128xi32, #tpu.memory_space<vmem>>) semaphore(%run_scoped3A_57 : memref<!tpu.dma_semaphore, #tpu.memory_space<semaphore_mem>>) {add = true}
        %dma_wait3A = arith.constant 0 : i32
        %dma_wait3A_63 = tpu.memref_slice %arg14[%run_scoped3A_54, %dma_wait3A] : memref<8x128xi32, #tpu.memory_space<vmem>> -> memref<1x128xi32, #tpu.memory_space<vmem>>
        %dma_wait3A_64 = tpu.memref_squeeze %dma_wait3A_63 : memref<1x128xi32, #tpu.memory_space<vmem>> -> memref<128xi32, #tpu.memory_space<vmem>>
        %dma_wait3A_65 = arith.constant 0 : i32
        %dma_wait3A_66 = arith.constant 0 : i32
        %dma_wait3A_67 = tpu.memref_slice %arg9[%dma_wait3A_65, %dma_wait3A_66] : memref<16384x24xf32, #tpu.memory_space<vmem_shared>> -> memref<16384x24xf32, #tpu.memory_space<vmem_shared>>
        tpu.wait_indirect_dma semaphore(%run_scoped3A_57 : memref<!tpu.dma_semaphore, #tpu.memory_space<semaphore_mem>>) src(%arg13 : memref<128x24xf32, #tpu.memory_space<vmem>>) dst(%dma_wait3A_67 : memref<16384x24xf32, #tpu.memory_space<vmem_shared>>)
        tpu.yield
      }) : () -> ()
      %run_scoped3A_55 = arith.constant 7 : i32
      "tpu.region"() ({
        %run_scoped3A_57 = tpu.sem_alloc : memref<!tpu.dma_semaphore, #tpu.memory_space<semaphore_mem>>
        %dma_start3A = arith.constant 0 : i32
        %dma_start3A_58 = tpu.memref_slice %arg14[%run_scoped3A_55, %dma_start3A] : memref<8x128xi32, #tpu.memory_space<vmem>> -> memref<1x128xi32, #tpu.memory_space<vmem>>
        %dma_start3A_59 = tpu.memref_squeeze %dma_start3A_58 : memref<1x128xi32, #tpu.memory_space<vmem>> -> memref<128xi32, #tpu.memory_space<vmem>>
        %dma_start3A_60 = arith.constant 0 : i32
        %dma_start3A_61 = arith.constant 0 : i32
        %dma_start3A_62 = tpu.memref_slice %arg9[%dma_start3A_60, %dma_start3A_61] : memref<16384x24xf32, #tpu.memory_space<vmem_shared>> -> memref<16384x24xf32, #tpu.memory_space<vmem_shared>>
        tpu.enqueue_indirect_dma source(%arg13 : memref<128x24xf32, #tpu.memory_space<vmem>>) target(%dma_start3A_62 : memref<16384x24xf32, #tpu.memory_space<vmem_shared>>) offsets(%dma_start3A_59 : memref<128xi32, #tpu.memory_space<vmem>>) semaphore(%run_scoped3A_57 : memref<!tpu.dma_semaphore, #tpu.memory_space<semaphore_mem>>) {add = true}
        %dma_wait3A = arith.constant 0 : i32
        %dma_wait3A_63 = tpu.memref_slice %arg14[%run_scoped3A_55, %dma_wait3A] : memref<8x128xi32, #tpu.memory_space<vmem>> -> memref<1x128xi32, #tpu.memory_space<vmem>>
        %dma_wait3A_64 = tpu.memref_squeeze %dma_wait3A_63 : memref<1x128xi32, #tpu.memory_space<vmem>> -> memref<128xi32, #tpu.memory_space<vmem>>
        %dma_wait3A_65 = arith.constant 0 : i32
        %dma_wait3A_66 = arith.constant 0 : i32
        %dma_wait3A_67 = tpu.memref_slice %arg9[%dma_wait3A_65, %dma_wait3A_66] : memref<16384x24xf32, #tpu.memory_space<vmem_shared>> -> memref<16384x24xf32, #tpu.memory_space<vmem_shared>>
        tpu.wait_indirect_dma semaphore(%run_scoped3A_57 : memref<!tpu.dma_semaphore, #tpu.memory_space<semaphore_mem>>) src(%arg13 : memref<128x24xf32, #tpu.memory_space<vmem>>) dst(%dma_wait3A_67 : memref<16384x24xf32, #tpu.memory_space<vmem_shared>>)
        tpu.yield
      }) : () -> ()
      %barrier3A_56 = arith.constant 0 : index
      tpu.barrier barrier_id(%barrier3A_56)
      "tpu.region"() ({
        %run_scoped3A_57 = tpu.sem_alloc : memref<!tpu.dma_semaphore, #tpu.memory_space<semaphore_mem>>
        %dma_start3A = arith.constant 0 : i32
        %dma_start3A_58 = tpu.memref_slice %arg5[%mul3A_0, %dma_start3A] : memref<16384x24xf32, #tpu.memory_space<hbm>> -> memref<1024x24xf32, #tpu.memory_space<hbm>>
        %dma_start3A_59 = arith.constant 0 : i32
        %dma_start3A_60 = tpu.memref_slice %arg9[%mul3A_0, %dma_start3A_59] : memref<16384x24xf32, #tpu.memory_space<vmem_shared>> -> memref<1024x24xf32, #tpu.memory_space<vmem_shared>>
        tpu.enqueue_dma source(%dma_start3A_60 : memref<1024x24xf32, #tpu.memory_space<vmem_shared>>) target(%dma_start3A_58 : memref<1024x24xf32, #tpu.memory_space<hbm>>) target_semaphore(%run_scoped3A_57 : memref<!tpu.dma_semaphore, #tpu.memory_space<semaphore_mem>>)
        %dma_wait3A = arith.constant 0 : i32
        %dma_wait3A_61 = tpu.memref_slice %arg5[%mul3A_0, %dma_wait3A] : memref<16384x24xf32, #tpu.memory_space<hbm>> -> memref<1024x24xf32, #tpu.memory_space<hbm>>
        %dma_wait3A_62 = arith.constant 0 : i32
        %dma_wait3A_63 = tpu.memref_slice %arg9[%mul3A_0, %dma_wait3A_62] : memref<16384x24xf32, #tpu.memory_space<vmem_shared>> -> memref<1024x24xf32, #tpu.memory_space<vmem_shared>>
        tpu.wait_dma2 semaphore(%run_scoped3A_57 : memref<!tpu.dma_semaphore, #tpu.memory_space<semaphore_mem>>) src(%dma_wait3A_63 : memref<1024x24xf32, #tpu.memory_space<vmem_shared>>) dst(%dma_wait3A_61 : memref<1024x24xf32, #tpu.memory_space<hbm>>)
        tpu.yield
      }) : () -> ()
    } else {
    }
    %scan3A_28 = arith.constant 0 : i32
    %scan3A_29 = arith.constant 0 : i32
    %scan3A_30 = arith.constant 18 : i32
    %scan3A_31 = arith.addi %scan3A_29, %scan3A_30 : i32
    %scan3A_32 = arith.constant 1 : i32
    scf.for %scan3A_34 = %scan3A_29 to %scan3A_31 step %scan3A_32  : i32 {
      %mul3A_35 = arith.constant 2 : i32
      %mul3A_36 = arith.muli %scan3A_34, %mul3A_35 : i32
      %add3A = arith.addi %mul3A_36, %arg0 : i32
      %mul3A_37 = arith.constant 64 : i32
      %mul3A_38 = arith.muli %add3A, %mul3A_37 : i32
      %add3A_39 = arith.constant 0 : i32
      %add3A_40 = arith.addi %mul3A_0, %add3A_39 : i32
      "tpu.region"() ({
        %run_scoped3A_71 = tpu.sem_alloc : memref<!tpu.dma_semaphore, #tpu.memory_space<semaphore_mem>>
        %dma_start3A = arith.constant 0 : i32
        %dma_start3A_72 = tpu.memref_slice %arg8[%add3A_40, %dma_start3A] : memref<16384x64xf32, #tpu.memory_space<vmem_shared>> -> memref<128x64xf32, #tpu.memory_space<vmem_shared>>
        %dma_start3A_73 = arith.constant 0 : i32
        %dma_start3A_74 = tpu.memref_slice %arg8[%add3A_40, %dma_start3A_73] : memref<16384x64xf32, #tpu.memory_space<vmem_shared>> -> memref<128x64xf32, #tpu.memory_space<vmem_shared>>
        tpu.enqueue_dma source(%arg12 : memref<128x64xf32, #tpu.memory_space<vmem>>) target(%dma_start3A_74 : memref<128x64xf32, #tpu.memory_space<vmem_shared>>) target_semaphore(%run_scoped3A_71 : memref<!tpu.dma_semaphore, #tpu.memory_space<semaphore_mem>>)
        %dma_wait3A = arith.constant 0 : i32
        %dma_wait3A_75 = tpu.memref_slice %arg8[%add3A_40, %dma_wait3A] : memref<16384x64xf32, #tpu.memory_space<vmem_shared>> -> memref<128x64xf32, #tpu.memory_space<vmem_shared>>
        %dma_wait3A_76 = arith.constant 0 : i32
        %dma_wait3A_77 = tpu.memref_slice %arg8[%add3A_40, %dma_wait3A_76] : memref<16384x64xf32, #tpu.memory_space<vmem_shared>> -> memref<128x64xf32, #tpu.memory_space<vmem_shared>>
        tpu.wait_dma2 semaphore(%run_scoped3A_71 : memref<!tpu.dma_semaphore, #tpu.memory_space<semaphore_mem>>) src(%arg12 : memref<128x64xf32, #tpu.memory_space<vmem>>) dst(%dma_wait3A_77 : memref<128x64xf32, #tpu.memory_space<vmem_shared>>)
        tpu.yield
      }) : () -> ()
      %add3A_41 = arith.constant 128 : i32
      %add3A_42 = arith.addi %mul3A_0, %add3A_41 : i32
      "tpu.region"() ({
        %run_scoped3A_71 = tpu.sem_alloc : memref<!tpu.dma_semaphore, #tpu.memory_space<semaphore_mem>>
        %dma_start3A = arith.constant 0 : i32
        %dma_start3A_72 = tpu.memref_slice %arg8[%add3A_42, %dma_start3A] : memref<16384x64xf32, #tpu.memory_space<vmem_shared>> -> memref<128x64xf32, #tpu.memory_space<vmem_shared>>
        %dma_start3A_73 = arith.constant 0 : i32
        %dma_start3A_74 = tpu.memref_slice %arg8[%add3A_42, %dma_start3A_73] : memref<16384x64xf32, #tpu.memory_space<vmem_shared>> -> memref<128x64xf32, #tpu.memory_space<vmem_shared>>
        tpu.enqueue_dma source(%arg12 : memref<128x64xf32, #tpu.memory_space<vmem>>) target(%dma_start3A_74 : memref<128x64xf32, #tpu.memory_space<vmem_shared>>) target_semaphore(%run_scoped3A_71 : memref<!tpu.dma_semaphore, #tpu.memory_space<semaphore_mem>>)
        %dma_wait3A = arith.constant 0 : i32
        %dma_wait3A_75 = tpu.memref_slice %arg8[%add3A_42, %dma_wait3A] : memref<16384x64xf32, #tpu.memory_space<vmem_shared>> -> memref<128x64xf32, #tpu.memory_space<vmem_shared>>
        %dma_wait3A_76 = arith.constant 0 : i32
        %dma_wait3A_77 = tpu.memref_slice %arg8[%add3A_42, %dma_wait3A_76] : memref<16384x64xf32, #tpu.memory_space<vmem_shared>> -> memref<128x64xf32, #tpu.memory_space<vmem_shared>>
        tpu.wait_dma2 semaphore(%run_scoped3A_71 : memref<!tpu.dma_semaphore, #tpu.memory_space<semaphore_mem>>) src(%arg12 : memref<128x64xf32, #tpu.memory_space<vmem>>) dst(%dma_wait3A_77 : memref<128x64xf32, #tpu.memory_space<vmem_shared>>)
        tpu.yield
      }) : () -> ()
      %add3A_43 = arith.constant 256 : i32
      %add3A_44 = arith.addi %mul3A_0, %add3A_43 : i32
      "tpu.region"() ({
        %run_scoped3A_71 = tpu.sem_alloc : memref<!tpu.dma_semaphore, #tpu.memory_space<semaphore_mem>>
        %dma_start3A = arith.constant 0 : i32
        %dma_start3A_72 = tpu.memref_slice %arg8[%add3A_44, %dma_start3A] : memref<16384x64xf32, #tpu.memory_space<vmem_shared>> -> memref<128x64xf32, #tpu.memory_space<vmem_shared>>
        %dma_start3A_73 = arith.constant 0 : i32
        %dma_start3A_74 = tpu.memref_slice %arg8[%add3A_44, %dma_start3A_73] : memref<16384x64xf32, #tpu.memory_space<vmem_shared>> -> memref<128x64xf32, #tpu.memory_space<vmem_shared>>
        tpu.enqueue_dma source(%arg12 : memref<128x64xf32, #tpu.memory_space<vmem>>) target(%dma_start3A_74 : memref<128x64xf32, #tpu.memory_space<vmem_shared>>) target_semaphore(%run_scoped3A_71 : memref<!tpu.dma_semaphore, #tpu.memory_space<semaphore_mem>>)
        %dma_wait3A = arith.constant 0 : i32
        %dma_wait3A_75 = tpu.memref_slice %arg8[%add3A_44, %dma_wait3A] : memref<16384x64xf32, #tpu.memory_space<vmem_shared>> -> memref<128x64xf32, #tpu.memory_space<vmem_shared>>
        %dma_wait3A_76 = arith.constant 0 : i32
        %dma_wait3A_77 = tpu.memref_slice %arg8[%add3A_44, %dma_wait3A_76] : memref<16384x64xf32, #tpu.memory_space<vmem_shared>> -> memref<128x64xf32, #tpu.memory_space<vmem_shared>>
        tpu.wait_dma2 semaphore(%run_scoped3A_71 : memref<!tpu.dma_semaphore, #tpu.memory_space<semaphore_mem>>) src(%arg12 : memref<128x64xf32, #tpu.memory_space<vmem>>) dst(%dma_wait3A_77 : memref<128x64xf32, #tpu.memory_space<vmem_shared>>)
        tpu.yield
      }) : () -> ()
      %add3A_45 = arith.constant 384 : i32
      %add3A_46 = arith.addi %mul3A_0, %add3A_45 : i32
      "tpu.region"() ({
        %run_scoped3A_71 = tpu.sem_alloc : memref<!tpu.dma_semaphore, #tpu.memory_space<semaphore_mem>>
        %dma_start3A = arith.constant 0 : i32
        %dma_start3A_72 = tpu.memref_slice %arg8[%add3A_46, %dma_start3A] : memref<16384x64xf32, #tpu.memory_space<vmem_shared>> -> memref<128x64xf32, #tpu.memory_space<vmem_shared>>
        %dma_start3A_73 = arith.constant 0 : i32
        %dma_start3A_74 = tpu.memref_slice %arg8[%add3A_46, %dma_start3A_73] : memref<16384x64xf32, #tpu.memory_space<vmem_shared>> -> memref<128x64xf32, #tpu.memory_space<vmem_shared>>
        tpu.enqueue_dma source(%arg12 : memref<128x64xf32, #tpu.memory_space<vmem>>) target(%dma_start3A_74 : memref<128x64xf32, #tpu.memory_space<vmem_shared>>) target_semaphore(%run_scoped3A_71 : memref<!tpu.dma_semaphore, #tpu.memory_space<semaphore_mem>>)
        %dma_wait3A = arith.constant 0 : i32
        %dma_wait3A_75 = tpu.memref_slice %arg8[%add3A_46, %dma_wait3A] : memref<16384x64xf32, #tpu.memory_space<vmem_shared>> -> memref<128x64xf32, #tpu.memory_space<vmem_shared>>
        %dma_wait3A_76 = arith.constant 0 : i32
        %dma_wait3A_77 = tpu.memref_slice %arg8[%add3A_46, %dma_wait3A_76] : memref<16384x64xf32, #tpu.memory_space<vmem_shared>> -> memref<128x64xf32, #tpu.memory_space<vmem_shared>>
        tpu.wait_dma2 semaphore(%run_scoped3A_71 : memref<!tpu.dma_semaphore, #tpu.memory_space<semaphore_mem>>) src(%arg12 : memref<128x64xf32, #tpu.memory_space<vmem>>) dst(%dma_wait3A_77 : memref<128x64xf32, #tpu.memory_space<vmem_shared>>)
        tpu.yield
      }) : () -> ()
      %add3A_47 = arith.constant 512 : i32
      %add3A_48 = arith.addi %mul3A_0, %add3A_47 : i32
      "tpu.region"() ({
        %run_scoped3A_71 = tpu.sem_alloc : memref<!tpu.dma_semaphore, #tpu.memory_space<semaphore_mem>>
        %dma_start3A = arith.constant 0 : i32
        %dma_start3A_72 = tpu.memref_slice %arg8[%add3A_48, %dma_start3A] : memref<16384x64xf32, #tpu.memory_space<vmem_shared>> -> memref<128x64xf32, #tpu.memory_space<vmem_shared>>
        %dma_start3A_73 = arith.constant 0 : i32
        %dma_start3A_74 = tpu.memref_slice %arg8[%add3A_48, %dma_start3A_73] : memref<16384x64xf32, #tpu.memory_space<vmem_shared>> -> memref<128x64xf32, #tpu.memory_space<vmem_shared>>
        tpu.enqueue_dma source(%arg12 : memref<128x64xf32, #tpu.memory_space<vmem>>) target(%dma_start3A_74 : memref<128x64xf32, #tpu.memory_space<vmem_shared>>) target_semaphore(%run_scoped3A_71 : memref<!tpu.dma_semaphore, #tpu.memory_space<semaphore_mem>>)
        %dma_wait3A = arith.constant 0 : i32
        %dma_wait3A_75 = tpu.memref_slice %arg8[%add3A_48, %dma_wait3A] : memref<16384x64xf32, #tpu.memory_space<vmem_shared>> -> memref<128x64xf32, #tpu.memory_space<vmem_shared>>
        %dma_wait3A_76 = arith.constant 0 : i32
        %dma_wait3A_77 = tpu.memref_slice %arg8[%add3A_48, %dma_wait3A_76] : memref<16384x64xf32, #tpu.memory_space<vmem_shared>> -> memref<128x64xf32, #tpu.memory_space<vmem_shared>>
        tpu.wait_dma2 semaphore(%run_scoped3A_71 : memref<!tpu.dma_semaphore, #tpu.memory_space<semaphore_mem>>) src(%arg12 : memref<128x64xf32, #tpu.memory_space<vmem>>) dst(%dma_wait3A_77 : memref<128x64xf32, #tpu.memory_space<vmem_shared>>)
        tpu.yield
      }) : () -> ()
      %add3A_49 = arith.constant 640 : i32
      %add3A_50 = arith.addi %mul3A_0, %add3A_49 : i32
      "tpu.region"() ({
        %run_scoped3A_71 = tpu.sem_alloc : memref<!tpu.dma_semaphore, #tpu.memory_space<semaphore_mem>>
        %dma_start3A = arith.constant 0 : i32
        %dma_start3A_72 = tpu.memref_slice %arg8[%add3A_50, %dma_start3A] : memref<16384x64xf32, #tpu.memory_space<vmem_shared>> -> memref<128x64xf32, #tpu.memory_space<vmem_shared>>
        %dma_start3A_73 = arith.constant 0 : i32
        %dma_start3A_74 = tpu.memref_slice %arg8[%add3A_50, %dma_start3A_73] : memref<16384x64xf32, #tpu.memory_space<vmem_shared>> -> memref<128x64xf32, #tpu.memory_space<vmem_shared>>
        tpu.enqueue_dma source(%arg12 : memref<128x64xf32, #tpu.memory_space<vmem>>) target(%dma_start3A_74 : memref<128x64xf32, #tpu.memory_space<vmem_shared>>) target_semaphore(%run_scoped3A_71 : memref<!tpu.dma_semaphore, #tpu.memory_space<semaphore_mem>>)
        %dma_wait3A = arith.constant 0 : i32
        %dma_wait3A_75 = tpu.memref_slice %arg8[%add3A_50, %dma_wait3A] : memref<16384x64xf32, #tpu.memory_space<vmem_shared>> -> memref<128x64xf32, #tpu.memory_space<vmem_shared>>
        %dma_wait3A_76 = arith.constant 0 : i32
        %dma_wait3A_77 = tpu.memref_slice %arg8[%add3A_50, %dma_wait3A_76] : memref<16384x64xf32, #tpu.memory_space<vmem_shared>> -> memref<128x64xf32, #tpu.memory_space<vmem_shared>>
        tpu.wait_dma2 semaphore(%run_scoped3A_71 : memref<!tpu.dma_semaphore, #tpu.memory_space<semaphore_mem>>) src(%arg12 : memref<128x64xf32, #tpu.memory_space<vmem>>) dst(%dma_wait3A_77 : memref<128x64xf32, #tpu.memory_space<vmem_shared>>)
        tpu.yield
      }) : () -> ()
      %add3A_51 = arith.constant 768 : i32
      %add3A_52 = arith.addi %mul3A_0, %add3A_51 : i32
      "tpu.region"() ({
        %run_scoped3A_71 = tpu.sem_alloc : memref<!tpu.dma_semaphore, #tpu.memory_space<semaphore_mem>>
        %dma_start3A = arith.constant 0 : i32
        %dma_start3A_72 = tpu.memref_slice %arg8[%add3A_52, %dma_start3A] : memref<16384x64xf32, #tpu.memory_space<vmem_shared>> -> memref<128x64xf32, #tpu.memory_space<vmem_shared>>
        %dma_start3A_73 = arith.constant 0 : i32
        %dma_start3A_74 = tpu.memref_slice %arg8[%add3A_52, %dma_start3A_73] : memref<16384x64xf32, #tpu.memory_space<vmem_shared>> -> memref<128x64xf32, #tpu.memory_space<vmem_shared>>
        tpu.enqueue_dma source(%arg12 : memref<128x64xf32, #tpu.memory_space<vmem>>) target(%dma_start3A_74 : memref<128x64xf32, #tpu.memory_space<vmem_shared>>) target_semaphore(%run_scoped3A_71 : memref<!tpu.dma_semaphore, #tpu.memory_space<semaphore_mem>>)
        %dma_wait3A = arith.constant 0 : i32
        %dma_wait3A_75 = tpu.memref_slice %arg8[%add3A_52, %dma_wait3A] : memref<16384x64xf32, #tpu.memory_space<vmem_shared>> -> memref<128x64xf32, #tpu.memory_space<vmem_shared>>
        %dma_wait3A_76 = arith.constant 0 : i32
        %dma_wait3A_77 = tpu.memref_slice %arg8[%add3A_52, %dma_wait3A_76] : memref<16384x64xf32, #tpu.memory_space<vmem_shared>> -> memref<128x64xf32, #tpu.memory_space<vmem_shared>>
        tpu.wait_dma2 semaphore(%run_scoped3A_71 : memref<!tpu.dma_semaphore, #tpu.memory_space<semaphore_mem>>) src(%arg12 : memref<128x64xf32, #tpu.memory_space<vmem>>) dst(%dma_wait3A_77 : memref<128x64xf32, #tpu.memory_space<vmem_shared>>)
        tpu.yield
      }) : () -> ()
      %add3A_53 = arith.constant 896 : i32
      %add3A_54 = arith.addi %mul3A_0, %add3A_53 : i32
      "tpu.region"() ({
        %run_scoped3A_71 = tpu.sem_alloc : memref<!tpu.dma_semaphore, #tpu.memory_space<semaphore_mem>>
        %dma_start3A = arith.constant 0 : i32
        %dma_start3A_72 = tpu.memref_slice %arg8[%add3A_54, %dma_start3A] : memref<16384x64xf32, #tpu.memory_space<vmem_shared>> -> memref<128x64xf32, #tpu.memory_space<vmem_shared>>
        %dma_start3A_73 = arith.constant 0 : i32
        %dma_start3A_74 = tpu.memref_slice %arg8[%add3A_54, %dma_start3A_73] : memref<16384x64xf32, #tpu.memory_space<vmem_shared>> -> memref<128x64xf32, #tpu.memory_space<vmem_shared>>
        tpu.enqueue_dma source(%arg12 : memref<128x64xf32, #tpu.memory_space<vmem>>) target(%dma_start3A_74 : memref<128x64xf32, #tpu.memory_space<vmem_shared>>) target_semaphore(%run_scoped3A_71 : memref<!tpu.dma_semaphore, #tpu.memory_space<semaphore_mem>>)
        %dma_wait3A = arith.constant 0 : i32
        %dma_wait3A_75 = tpu.memref_slice %arg8[%add3A_54, %dma_wait3A] : memref<16384x64xf32, #tpu.memory_space<vmem_shared>> -> memref<128x64xf32, #tpu.memory_space<vmem_shared>>
        %dma_wait3A_76 = arith.constant 0 : i32
        %dma_wait3A_77 = tpu.memref_slice %arg8[%add3A_54, %dma_wait3A_76] : memref<16384x64xf32, #tpu.memory_space<vmem_shared>> -> memref<128x64xf32, #tpu.memory_space<vmem_shared>>
        tpu.wait_dma2 semaphore(%run_scoped3A_71 : memref<!tpu.dma_semaphore, #tpu.memory_space<semaphore_mem>>) src(%arg12 : memref<128x64xf32, #tpu.memory_space<vmem>>) dst(%dma_wait3A_77 : memref<128x64xf32, #tpu.memory_space<vmem_shared>>)
        tpu.yield
      }) : () -> ()
      %barrier3A = arith.constant 0 : index
      tpu.barrier barrier_id(%barrier3A)
      %add3A_55 = arith.constant 0 : i32
      %add3A_56 = arith.addi %mul3A_2, %add3A_55 : i32
      "tpu.region"() ({
        %run_scoped3A_71 = tpu.sem_alloc : memref<!tpu.dma_semaphore, #tpu.memory_space<semaphore_mem>>
        %dma_start3A = tpu.memref_slice %arg3[%add3A_56, %mul3A_38] : memref<16384x2324xf32, #tpu.memory_space<hbm>> -> memref<256x64xf32, #tpu.memory_space<hbm>>
        %dma_start3A_72 = tpu.memref_slice %arg3[%add3A_56, %mul3A_38] : memref<16384x2324xf32, #tpu.memory_space<hbm>> -> memref<256x64xf32, #tpu.memory_space<hbm>>
        tpu.enqueue_dma source(%dma_start3A_72 : memref<256x64xf32, #tpu.memory_space<hbm>>) target(%arg10 : memref<256x64xf32, #tpu.memory_space<vmem>>) target_semaphore(%run_scoped3A_71 : memref<!tpu.dma_semaphore, #tpu.memory_space<semaphore_mem>>)
        %dma_wait3A = tpu.memref_slice %arg3[%add3A_56, %mul3A_38] : memref<16384x2324xf32, #tpu.memory_space<hbm>> -> memref<256x64xf32, #tpu.memory_space<hbm>>
        %dma_wait3A_73 = tpu.memref_slice %arg3[%add3A_56, %mul3A_38] : memref<16384x2324xf32, #tpu.memory_space<hbm>> -> memref<256x64xf32, #tpu.memory_space<hbm>>
        tpu.wait_dma2 semaphore(%run_scoped3A_71 : memref<!tpu.dma_semaphore, #tpu.memory_space<semaphore_mem>>) src(%dma_wait3A_73 : memref<256x64xf32, #tpu.memory_space<hbm>>) dst(%arg10 : memref<256x64xf32, #tpu.memory_space<vmem>>)
        tpu.yield
      }) : () -> ()
      %run_scoped3A = arith.constant 0 : i32
      "tpu.region"() ({
        %run_scoped3A_71 = tpu.sem_alloc : memref<!tpu.dma_semaphore, #tpu.memory_space<semaphore_mem>>
        %dma_start3A = arith.constant 0 : i32
        %dma_start3A_72 = arith.constant 0 : i32
        %dma_start3A_73 = tpu.memref_slice %arg10[%dma_start3A, %dma_start3A_72] : memref<256x64xf32, #tpu.memory_space<vmem>> -> memref<128x64xf32, #tpu.memory_space<vmem>>
        %dma_start3A_74 = arith.constant 0 : i32
        %dma_start3A_75 = tpu.memref_slice %arg14[%run_scoped3A, %dma_start3A_74] : memref<8x128xi32, #tpu.memory_space<vmem>> -> memref<1x128xi32, #tpu.memory_space<vmem>>
        %dma_start3A_76 = tpu.memref_squeeze %dma_start3A_75 : memref<1x128xi32, #tpu.memory_space<vmem>> -> memref<128xi32, #tpu.memory_space<vmem>>
        %dma_start3A_77 = arith.constant 0 : i32
        %dma_start3A_78 = arith.constant 0 : i32
        %dma_start3A_79 = tpu.memref_slice %arg8[%dma_start3A_77, %dma_start3A_78] : memref<16384x64xf32, #tpu.memory_space<vmem_shared>> -> memref<16384x64xf32, #tpu.memory_space<vmem_shared>>
        tpu.enqueue_indirect_dma source(%dma_start3A_73 : memref<128x64xf32, #tpu.memory_space<vmem>>) target(%dma_start3A_79 : memref<16384x64xf32, #tpu.memory_space<vmem_shared>>) offsets(%dma_start3A_76 : memref<128xi32, #tpu.memory_space<vmem>>) semaphore(%run_scoped3A_71 : memref<!tpu.dma_semaphore, #tpu.memory_space<semaphore_mem>>) {add = true}
        %dma_wait3A = arith.constant 0 : i32
        %dma_wait3A_80 = arith.constant 0 : i32
        %dma_wait3A_81 = tpu.memref_slice %arg10[%dma_wait3A, %dma_wait3A_80] : memref<256x64xf32, #tpu.memory_space<vmem>> -> memref<128x64xf32, #tpu.memory_space<vmem>>
        %dma_wait3A_82 = arith.constant 0 : i32
        %dma_wait3A_83 = tpu.memref_slice %arg14[%run_scoped3A, %dma_wait3A_82] : memref<8x128xi32, #tpu.memory_space<vmem>> -> memref<1x128xi32, #tpu.memory_space<vmem>>
        %dma_wait3A_84 = tpu.memref_squeeze %dma_wait3A_83 : memref<1x128xi32, #tpu.memory_space<vmem>> -> memref<128xi32, #tpu.memory_space<vmem>>
        %dma_wait3A_85 = arith.constant 0 : i32
        %dma_wait3A_86 = arith.constant 0 : i32
        %dma_wait3A_87 = tpu.memref_slice %arg8[%dma_wait3A_85, %dma_wait3A_86] : memref<16384x64xf32, #tpu.memory_space<vmem_shared>> -> memref<16384x64xf32, #tpu.memory_space<vmem_shared>>
        tpu.wait_indirect_dma semaphore(%run_scoped3A_71 : memref<!tpu.dma_semaphore, #tpu.memory_space<semaphore_mem>>) src(%dma_wait3A_81 : memref<128x64xf32, #tpu.memory_space<vmem>>) dst(%dma_wait3A_87 : memref<16384x64xf32, #tpu.memory_space<vmem_shared>>)
        tpu.yield
      }) : () -> ()
      %run_scoped3A_57 = arith.constant 1 : i32
      "tpu.region"() ({
        %run_scoped3A_71 = tpu.sem_alloc : memref<!tpu.dma_semaphore, #tpu.memory_space<semaphore_mem>>
        %dma_start3A = arith.constant 128 : i32
        %dma_start3A_72 = arith.constant 0 : i32
        %dma_start3A_73 = tpu.memref_slice %arg10[%dma_start3A, %dma_start3A_72] : memref<256x64xf32, #tpu.memory_space<vmem>> -> memref<128x64xf32, #tpu.memory_space<vmem>>
        %dma_start3A_74 = arith.constant 0 : i32
        %dma_start3A_75 = tpu.memref_slice %arg14[%run_scoped3A_57, %dma_start3A_74] : memref<8x128xi32, #tpu.memory_space<vmem>> -> memref<1x128xi32, #tpu.memory_space<vmem>>
        %dma_start3A_76 = tpu.memref_squeeze %dma_start3A_75 : memref<1x128xi32, #tpu.memory_space<vmem>> -> memref<128xi32, #tpu.memory_space<vmem>>
        %dma_start3A_77 = arith.constant 0 : i32
        %dma_start3A_78 = arith.constant 0 : i32
        %dma_start3A_79 = tpu.memref_slice %arg8[%dma_start3A_77, %dma_start3A_78] : memref<16384x64xf32, #tpu.memory_space<vmem_shared>> -> memref<16384x64xf32, #tpu.memory_space<vmem_shared>>
        tpu.enqueue_indirect_dma source(%dma_start3A_73 : memref<128x64xf32, #tpu.memory_space<vmem>>) target(%dma_start3A_79 : memref<16384x64xf32, #tpu.memory_space<vmem_shared>>) offsets(%dma_start3A_76 : memref<128xi32, #tpu.memory_space<vmem>>) semaphore(%run_scoped3A_71 : memref<!tpu.dma_semaphore, #tpu.memory_space<semaphore_mem>>) {add = true}
        %dma_wait3A = arith.constant 128 : i32
        %dma_wait3A_80 = arith.constant 0 : i32
        %dma_wait3A_81 = tpu.memref_slice %arg10[%dma_wait3A, %dma_wait3A_80] : memref<256x64xf32, #tpu.memory_space<vmem>> -> memref<128x64xf32, #tpu.memory_space<vmem>>
        %dma_wait3A_82 = arith.constant 0 : i32
        %dma_wait3A_83 = tpu.memref_slice %arg14[%run_scoped3A_57, %dma_wait3A_82] : memref<8x128xi32, #tpu.memory_space<vmem>> -> memref<1x128xi32, #tpu.memory_space<vmem>>
        %dma_wait3A_84 = tpu.memref_squeeze %dma_wait3A_83 : memref<1x128xi32, #tpu.memory_space<vmem>> -> memref<128xi32, #tpu.memory_space<vmem>>
        %dma_wait3A_85 = arith.constant 0 : i32
        %dma_wait3A_86 = arith.constant 0 : i32
        %dma_wait3A_87 = tpu.memref_slice %arg8[%dma_wait3A_85, %dma_wait3A_86] : memref<16384x64xf32, #tpu.memory_space<vmem_shared>> -> memref<16384x64xf32, #tpu.memory_space<vmem_shared>>
        tpu.wait_indirect_dma semaphore(%run_scoped3A_71 : memref<!tpu.dma_semaphore, #tpu.memory_space<semaphore_mem>>) src(%dma_wait3A_81 : memref<128x64xf32, #tpu.memory_space<vmem>>) dst(%dma_wait3A_87 : memref<16384x64xf32, #tpu.memory_space<vmem_shared>>)
        tpu.yield
      }) : () -> ()
      %add3A_58 = arith.constant 256 : i32
      %add3A_59 = arith.addi %mul3A_2, %add3A_58 : i32
      "tpu.region"() ({
        %run_scoped3A_71 = tpu.sem_alloc : memref<!tpu.dma_semaphore, #tpu.memory_space<semaphore_mem>>
        %dma_start3A = tpu.memref_slice %arg3[%add3A_59, %mul3A_38] : memref<16384x2324xf32, #tpu.memory_space<hbm>> -> memref<256x64xf32, #tpu.memory_space<hbm>>
        %dma_start3A_72 = tpu.memref_slice %arg3[%add3A_59, %mul3A_38] : memref<16384x2324xf32, #tpu.memory_space<hbm>> -> memref<256x64xf32, #tpu.memory_space<hbm>>
        tpu.enqueue_dma source(%dma_start3A_72 : memref<256x64xf32, #tpu.memory_space<hbm>>) target(%arg10 : memref<256x64xf32, #tpu.memory_space<vmem>>) target_semaphore(%run_scoped3A_71 : memref<!tpu.dma_semaphore, #tpu.memory_space<semaphore_mem>>)
        %dma_wait3A = tpu.memref_slice %arg3[%add3A_59, %mul3A_38] : memref<16384x2324xf32, #tpu.memory_space<hbm>> -> memref<256x64xf32, #tpu.memory_space<hbm>>
        %dma_wait3A_73 = tpu.memref_slice %arg3[%add3A_59, %mul3A_38] : memref<16384x2324xf32, #tpu.memory_space<hbm>> -> memref<256x64xf32, #tpu.memory_space<hbm>>
        tpu.wait_dma2 semaphore(%run_scoped3A_71 : memref<!tpu.dma_semaphore, #tpu.memory_space<semaphore_mem>>) src(%dma_wait3A_73 : memref<256x64xf32, #tpu.memory_space<hbm>>) dst(%arg10 : memref<256x64xf32, #tpu.memory_space<vmem>>)
        tpu.yield
      }) : () -> ()
      %run_scoped3A_60 = arith.constant 2 : i32
      "tpu.region"() ({
        %run_scoped3A_71 = tpu.sem_alloc : memref<!tpu.dma_semaphore, #tpu.memory_space<semaphore_mem>>
        %dma_start3A = arith.constant 0 : i32
        %dma_start3A_72 = arith.constant 0 : i32
        %dma_start3A_73 = tpu.memref_slice %arg10[%dma_start3A, %dma_start3A_72] : memref<256x64xf32, #tpu.memory_space<vmem>> -> memref<128x64xf32, #tpu.memory_space<vmem>>
        %dma_start3A_74 = arith.constant 0 : i32
        %dma_start3A_75 = tpu.memref_slice %arg14[%run_scoped3A_60, %dma_start3A_74] : memref<8x128xi32, #tpu.memory_space<vmem>> -> memref<1x128xi32, #tpu.memory_space<vmem>>
        %dma_start3A_76 = tpu.memref_squeeze %dma_start3A_75 : memref<1x128xi32, #tpu.memory_space<vmem>> -> memref<128xi32, #tpu.memory_space<vmem>>
        %dma_start3A_77 = arith.constant 0 : i32
        %dma_start3A_78 = arith.constant 0 : i32
        %dma_start3A_79 = tpu.memref_slice %arg8[%dma_start3A_77, %dma_start3A_78] : memref<16384x64xf32, #tpu.memory_space<vmem_shared>> -> memref<16384x64xf32, #tpu.memory_space<vmem_shared>>
        tpu.enqueue_indirect_dma source(%dma_start3A_73 : memref<128x64xf32, #tpu.memory_space<vmem>>) target(%dma_start3A_79 : memref<16384x64xf32, #tpu.memory_space<vmem_shared>>) offsets(%dma_start3A_76 : memref<128xi32, #tpu.memory_space<vmem>>) semaphore(%run_scoped3A_71 : memref<!tpu.dma_semaphore, #tpu.memory_space<semaphore_mem>>) {add = true}
        %dma_wait3A = arith.constant 0 : i32
        %dma_wait3A_80 = arith.constant 0 : i32
        %dma_wait3A_81 = tpu.memref_slice %arg10[%dma_wait3A, %dma_wait3A_80] : memref<256x64xf32, #tpu.memory_space<vmem>> -> memref<128x64xf32, #tpu.memory_space<vmem>>
        %dma_wait3A_82 = arith.constant 0 : i32
        %dma_wait3A_83 = tpu.memref_slice %arg14[%run_scoped3A_60, %dma_wait3A_82] : memref<8x128xi32, #tpu.memory_space<vmem>> -> memref<1x128xi32, #tpu.memory_space<vmem>>
        %dma_wait3A_84 = tpu.memref_squeeze %dma_wait3A_83 : memref<1x128xi32, #tpu.memory_space<vmem>> -> memref<128xi32, #tpu.memory_space<vmem>>
        %dma_wait3A_85 = arith.constant 0 : i32
        %dma_wait3A_86 = arith.constant 0 : i32
        %dma_wait3A_87 = tpu.memref_slice %arg8[%dma_wait3A_85, %dma_wait3A_86] : memref<16384x64xf32, #tpu.memory_space<vmem_shared>> -> memref<16384x64xf32, #tpu.memory_space<vmem_shared>>
        tpu.wait_indirect_dma semaphore(%run_scoped3A_71 : memref<!tpu.dma_semaphore, #tpu.memory_space<semaphore_mem>>) src(%dma_wait3A_81 : memref<128x64xf32, #tpu.memory_space<vmem>>) dst(%dma_wait3A_87 : memref<16384x64xf32, #tpu.memory_space<vmem_shared>>)
        tpu.yield
      }) : () -> ()
      %run_scoped3A_61 = arith.constant 3 : i32
      "tpu.region"() ({
        %run_scoped3A_71 = tpu.sem_alloc : memref<!tpu.dma_semaphore, #tpu.memory_space<semaphore_mem>>
        %dma_start3A = arith.constant 128 : i32
        %dma_start3A_72 = arith.constant 0 : i32
        %dma_start3A_73 = tpu.memref_slice %arg10[%dma_start3A, %dma_start3A_72] : memref<256x64xf32, #tpu.memory_space<vmem>> -> memref<128x64xf32, #tpu.memory_space<vmem>>
        %dma_start3A_74 = arith.constant 0 : i32
        %dma_start3A_75 = tpu.memref_slice %arg14[%run_scoped3A_61, %dma_start3A_74] : memref<8x128xi32, #tpu.memory_space<vmem>> -> memref<1x128xi32, #tpu.memory_space<vmem>>
        %dma_start3A_76 = tpu.memref_squeeze %dma_start3A_75 : memref<1x128xi32, #tpu.memory_space<vmem>> -> memref<128xi32, #tpu.memory_space<vmem>>
        %dma_start3A_77 = arith.constant 0 : i32
        %dma_start3A_78 = arith.constant 0 : i32
        %dma_start3A_79 = tpu.memref_slice %arg8[%dma_start3A_77, %dma_start3A_78] : memref<16384x64xf32, #tpu.memory_space<vmem_shared>> -> memref<16384x64xf32, #tpu.memory_space<vmem_shared>>
        tpu.enqueue_indirect_dma source(%dma_start3A_73 : memref<128x64xf32, #tpu.memory_space<vmem>>) target(%dma_start3A_79 : memref<16384x64xf32, #tpu.memory_space<vmem_shared>>) offsets(%dma_start3A_76 : memref<128xi32, #tpu.memory_space<vmem>>) semaphore(%run_scoped3A_71 : memref<!tpu.dma_semaphore, #tpu.memory_space<semaphore_mem>>) {add = true}
        %dma_wait3A = arith.constant 128 : i32
        %dma_wait3A_80 = arith.constant 0 : i32
        %dma_wait3A_81 = tpu.memref_slice %arg10[%dma_wait3A, %dma_wait3A_80] : memref<256x64xf32, #tpu.memory_space<vmem>> -> memref<128x64xf32, #tpu.memory_space<vmem>>
        %dma_wait3A_82 = arith.constant 0 : i32
        %dma_wait3A_83 = tpu.memref_slice %arg14[%run_scoped3A_61, %dma_wait3A_82] : memref<8x128xi32, #tpu.memory_space<vmem>> -> memref<1x128xi32, #tpu.memory_space<vmem>>
        %dma_wait3A_84 = tpu.memref_squeeze %dma_wait3A_83 : memref<1x128xi32, #tpu.memory_space<vmem>> -> memref<128xi32, #tpu.memory_space<vmem>>
        %dma_wait3A_85 = arith.constant 0 : i32
        %dma_wait3A_86 = arith.constant 0 : i32
        %dma_wait3A_87 = tpu.memref_slice %arg8[%dma_wait3A_85, %dma_wait3A_86] : memref<16384x64xf32, #tpu.memory_space<vmem_shared>> -> memref<16384x64xf32, #tpu.memory_space<vmem_shared>>
        tpu.wait_indirect_dma semaphore(%run_scoped3A_71 : memref<!tpu.dma_semaphore, #tpu.memory_space<semaphore_mem>>) src(%dma_wait3A_81 : memref<128x64xf32, #tpu.memory_space<vmem>>) dst(%dma_wait3A_87 : memref<16384x64xf32, #tpu.memory_space<vmem_shared>>)
        tpu.yield
      }) : () -> ()
      %add3A_62 = arith.constant 512 : i32
      %add3A_63 = arith.addi %mul3A_2, %add3A_62 : i32
      "tpu.region"() ({
        %run_scoped3A_71 = tpu.sem_alloc : memref<!tpu.dma_semaphore, #tpu.memory_space<semaphore_mem>>
        %dma_start3A = tpu.memref_slice %arg3[%add3A_63, %mul3A_38] : memref<16384x2324xf32, #tpu.memory_space<hbm>> -> memref<256x64xf32, #tpu.memory_space<hbm>>
        %dma_start3A_72 = tpu.memref_slice %arg3[%add3A_63, %mul3A_38] : memref<16384x2324xf32, #tpu.memory_space<hbm>> -> memref<256x64xf32, #tpu.memory_space<hbm>>
        tpu.enqueue_dma source(%dma_start3A_72 : memref<256x64xf32, #tpu.memory_space<hbm>>) target(%arg10 : memref<256x64xf32, #tpu.memory_space<vmem>>) target_semaphore(%run_scoped3A_71 : memref<!tpu.dma_semaphore, #tpu.memory_space<semaphore_mem>>)
        %dma_wait3A = tpu.memref_slice %arg3[%add3A_63, %mul3A_38] : memref<16384x2324xf32, #tpu.memory_space<hbm>> -> memref<256x64xf32, #tpu.memory_space<hbm>>
        %dma_wait3A_73 = tpu.memref_slice %arg3[%add3A_63, %mul3A_38] : memref<16384x2324xf32, #tpu.memory_space<hbm>> -> memref<256x64xf32, #tpu.memory_space<hbm>>
        tpu.wait_dma2 semaphore(%run_scoped3A_71 : memref<!tpu.dma_semaphore, #tpu.memory_space<semaphore_mem>>) src(%dma_wait3A_73 : memref<256x64xf32, #tpu.memory_space<hbm>>) dst(%arg10 : memref<256x64xf32, #tpu.memory_space<vmem>>)
        tpu.yield
      }) : () -> ()
      %run_scoped3A_64 = arith.constant 4 : i32
      "tpu.region"() ({
        %run_scoped3A_71 = tpu.sem_alloc : memref<!tpu.dma_semaphore, #tpu.memory_space<semaphore_mem>>
        %dma_start3A = arith.constant 0 : i32
        %dma_start3A_72 = arith.constant 0 : i32
        %dma_start3A_73 = tpu.memref_slice %arg10[%dma_start3A, %dma_start3A_72] : memref<256x64xf32, #tpu.memory_space<vmem>> -> memref<128x64xf32, #tpu.memory_space<vmem>>
        %dma_start3A_74 = arith.constant 0 : i32
        %dma_start3A_75 = tpu.memref_slice %arg14[%run_scoped3A_64, %dma_start3A_74] : memref<8x128xi32, #tpu.memory_space<vmem>> -> memref<1x128xi32, #tpu.memory_space<vmem>>
        %dma_start3A_76 = tpu.memref_squeeze %dma_start3A_75 : memref<1x128xi32, #tpu.memory_space<vmem>> -> memref<128xi32, #tpu.memory_space<vmem>>
        %dma_start3A_77 = arith.constant 0 : i32
        %dma_start3A_78 = arith.constant 0 : i32
        %dma_start3A_79 = tpu.memref_slice %arg8[%dma_start3A_77, %dma_start3A_78] : memref<16384x64xf32, #tpu.memory_space<vmem_shared>> -> memref<16384x64xf32, #tpu.memory_space<vmem_shared>>
        tpu.enqueue_indirect_dma source(%dma_start3A_73 : memref<128x64xf32, #tpu.memory_space<vmem>>) target(%dma_start3A_79 : memref<16384x64xf32, #tpu.memory_space<vmem_shared>>) offsets(%dma_start3A_76 : memref<128xi32, #tpu.memory_space<vmem>>) semaphore(%run_scoped3A_71 : memref<!tpu.dma_semaphore, #tpu.memory_space<semaphore_mem>>) {add = true}
        %dma_wait3A = arith.constant 0 : i32
        %dma_wait3A_80 = arith.constant 0 : i32
        %dma_wait3A_81 = tpu.memref_slice %arg10[%dma_wait3A, %dma_wait3A_80] : memref<256x64xf32, #tpu.memory_space<vmem>> -> memref<128x64xf32, #tpu.memory_space<vmem>>
        %dma_wait3A_82 = arith.constant 0 : i32
        %dma_wait3A_83 = tpu.memref_slice %arg14[%run_scoped3A_64, %dma_wait3A_82] : memref<8x128xi32, #tpu.memory_space<vmem>> -> memref<1x128xi32, #tpu.memory_space<vmem>>
        %dma_wait3A_84 = tpu.memref_squeeze %dma_wait3A_83 : memref<1x128xi32, #tpu.memory_space<vmem>> -> memref<128xi32, #tpu.memory_space<vmem>>
        %dma_wait3A_85 = arith.constant 0 : i32
        %dma_wait3A_86 = arith.constant 0 : i32
        %dma_wait3A_87 = tpu.memref_slice %arg8[%dma_wait3A_85, %dma_wait3A_86] : memref<16384x64xf32, #tpu.memory_space<vmem_shared>> -> memref<16384x64xf32, #tpu.memory_space<vmem_shared>>
        tpu.wait_indirect_dma semaphore(%run_scoped3A_71 : memref<!tpu.dma_semaphore, #tpu.memory_space<semaphore_mem>>) src(%dma_wait3A_81 : memref<128x64xf32, #tpu.memory_space<vmem>>) dst(%dma_wait3A_87 : memref<16384x64xf32, #tpu.memory_space<vmem_shared>>)
        tpu.yield
      }) : () -> ()
      %run_scoped3A_65 = arith.constant 5 : i32
      "tpu.region"() ({
        %run_scoped3A_71 = tpu.sem_alloc : memref<!tpu.dma_semaphore, #tpu.memory_space<semaphore_mem>>
        %dma_start3A = arith.constant 128 : i32
        %dma_start3A_72 = arith.constant 0 : i32
        %dma_start3A_73 = tpu.memref_slice %arg10[%dma_start3A, %dma_start3A_72] : memref<256x64xf32, #tpu.memory_space<vmem>> -> memref<128x64xf32, #tpu.memory_space<vmem>>
        %dma_start3A_74 = arith.constant 0 : i32
        %dma_start3A_75 = tpu.memref_slice %arg14[%run_scoped3A_65, %dma_start3A_74] : memref<8x128xi32, #tpu.memory_space<vmem>> -> memref<1x128xi32, #tpu.memory_space<vmem>>
        %dma_start3A_76 = tpu.memref_squeeze %dma_start3A_75 : memref<1x128xi32, #tpu.memory_space<vmem>> -> memref<128xi32, #tpu.memory_space<vmem>>
        %dma_start3A_77 = arith.constant 0 : i32
        %dma_start3A_78 = arith.constant 0 : i32
        %dma_start3A_79 = tpu.memref_slice %arg8[%dma_start3A_77, %dma_start3A_78] : memref<16384x64xf32, #tpu.memory_space<vmem_shared>> -> memref<16384x64xf32, #tpu.memory_space<vmem_shared>>
        tpu.enqueue_indirect_dma source(%dma_start3A_73 : memref<128x64xf32, #tpu.memory_space<vmem>>) target(%dma_start3A_79 : memref<16384x64xf32, #tpu.memory_space<vmem_shared>>) offsets(%dma_start3A_76 : memref<128xi32, #tpu.memory_space<vmem>>) semaphore(%run_scoped3A_71 : memref<!tpu.dma_semaphore, #tpu.memory_space<semaphore_mem>>) {add = true}
        %dma_wait3A = arith.constant 128 : i32
        %dma_wait3A_80 = arith.constant 0 : i32
        %dma_wait3A_81 = tpu.memref_slice %arg10[%dma_wait3A, %dma_wait3A_80] : memref<256x64xf32, #tpu.memory_space<vmem>> -> memref<128x64xf32, #tpu.memory_space<vmem>>
        %dma_wait3A_82 = arith.constant 0 : i32
        %dma_wait3A_83 = tpu.memref_slice %arg14[%run_scoped3A_65, %dma_wait3A_82] : memref<8x128xi32, #tpu.memory_space<vmem>> -> memref<1x128xi32, #tpu.memory_space<vmem>>
        %dma_wait3A_84 = tpu.memref_squeeze %dma_wait3A_83 : memref<1x128xi32, #tpu.memory_space<vmem>> -> memref<128xi32, #tpu.memory_space<vmem>>
        %dma_wait3A_85 = arith.constant 0 : i32
        %dma_wait3A_86 = arith.constant 0 : i32
        %dma_wait3A_87 = tpu.memref_slice %arg8[%dma_wait3A_85, %dma_wait3A_86] : memref<16384x64xf32, #tpu.memory_space<vmem_shared>> -> memref<16384x64xf32, #tpu.memory_space<vmem_shared>>
        tpu.wait_indirect_dma semaphore(%run_scoped3A_71 : memref<!tpu.dma_semaphore, #tpu.memory_space<semaphore_mem>>) src(%dma_wait3A_81 : memref<128x64xf32, #tpu.memory_space<vmem>>) dst(%dma_wait3A_87 : memref<16384x64xf32, #tpu.memory_space<vmem_shared>>)
        tpu.yield
      }) : () -> ()
      %add3A_66 = arith.constant 768 : i32
      %add3A_67 = arith.addi %mul3A_2, %add3A_66 : i32
      "tpu.region"() ({
        %run_scoped3A_71 = tpu.sem_alloc : memref<!tpu.dma_semaphore, #tpu.memory_space<semaphore_mem>>
        %dma_start3A = tpu.memref_slice %arg3[%add3A_67, %mul3A_38] : memref<16384x2324xf32, #tpu.memory_space<hbm>> -> memref<256x64xf32, #tpu.memory_space<hbm>>
        %dma_start3A_72 = tpu.memref_slice %arg3[%add3A_67, %mul3A_38] : memref<16384x2324xf32, #tpu.memory_space<hbm>> -> memref<256x64xf32, #tpu.memory_space<hbm>>
        tpu.enqueue_dma source(%dma_start3A_72 : memref<256x64xf32, #tpu.memory_space<hbm>>) target(%arg10 : memref<256x64xf32, #tpu.memory_space<vmem>>) target_semaphore(%run_scoped3A_71 : memref<!tpu.dma_semaphore, #tpu.memory_space<semaphore_mem>>)
        %dma_wait3A = tpu.memref_slice %arg3[%add3A_67, %mul3A_38] : memref<16384x2324xf32, #tpu.memory_space<hbm>> -> memref<256x64xf32, #tpu.memory_space<hbm>>
        %dma_wait3A_73 = tpu.memref_slice %arg3[%add3A_67, %mul3A_38] : memref<16384x2324xf32, #tpu.memory_space<hbm>> -> memref<256x64xf32, #tpu.memory_space<hbm>>
        tpu.wait_dma2 semaphore(%run_scoped3A_71 : memref<!tpu.dma_semaphore, #tpu.memory_space<semaphore_mem>>) src(%dma_wait3A_73 : memref<256x64xf32, #tpu.memory_space<hbm>>) dst(%arg10 : memref<256x64xf32, #tpu.memory_space<vmem>>)
        tpu.yield
      }) : () -> ()
      %run_scoped3A_68 = arith.constant 6 : i32
      "tpu.region"() ({
        %run_scoped3A_71 = tpu.sem_alloc : memref<!tpu.dma_semaphore, #tpu.memory_space<semaphore_mem>>
        %dma_start3A = arith.constant 0 : i32
        %dma_start3A_72 = arith.constant 0 : i32
        %dma_start3A_73 = tpu.memref_slice %arg10[%dma_start3A, %dma_start3A_72] : memref<256x64xf32, #tpu.memory_space<vmem>> -> memref<128x64xf32, #tpu.memory_space<vmem>>
        %dma_start3A_74 = arith.constant 0 : i32
        %dma_start3A_75 = tpu.memref_slice %arg14[%run_scoped3A_68, %dma_start3A_74] : memref<8x128xi32, #tpu.memory_space<vmem>> -> memref<1x128xi32, #tpu.memory_space<vmem>>
        %dma_start3A_76 = tpu.memref_squeeze %dma_start3A_75 : memref<1x128xi32, #tpu.memory_space<vmem>> -> memref<128xi32, #tpu.memory_space<vmem>>
        %dma_start3A_77 = arith.constant 0 : i32
        %dma_start3A_78 = arith.constant 0 : i32
        %dma_start3A_79 = tpu.memref_slice %arg8[%dma_start3A_77, %dma_start3A_78] : memref<16384x64xf32, #tpu.memory_space<vmem_shared>> -> memref<16384x64xf32, #tpu.memory_space<vmem_shared>>
        tpu.enqueue_indirect_dma source(%dma_start3A_73 : memref<128x64xf32, #tpu.memory_space<vmem>>) target(%dma_start3A_79 : memref<16384x64xf32, #tpu.memory_space<vmem_shared>>) offsets(%dma_start3A_76 : memref<128xi32, #tpu.memory_space<vmem>>) semaphore(%run_scoped3A_71 : memref<!tpu.dma_semaphore, #tpu.memory_space<semaphore_mem>>) {add = true}
        %dma_wait3A = arith.constant 0 : i32
        %dma_wait3A_80 = arith.constant 0 : i32
        %dma_wait3A_81 = tpu.memref_slice %arg10[%dma_wait3A, %dma_wait3A_80] : memref<256x64xf32, #tpu.memory_space<vmem>> -> memref<128x64xf32, #tpu.memory_space<vmem>>
        %dma_wait3A_82 = arith.constant 0 : i32
        %dma_wait3A_83 = tpu.memref_slice %arg14[%run_scoped3A_68, %dma_wait3A_82] : memref<8x128xi32, #tpu.memory_space<vmem>> -> memref<1x128xi32, #tpu.memory_space<vmem>>
        %dma_wait3A_84 = tpu.memref_squeeze %dma_wait3A_83 : memref<1x128xi32, #tpu.memory_space<vmem>> -> memref<128xi32, #tpu.memory_space<vmem>>
        %dma_wait3A_85 = arith.constant 0 : i32
        %dma_wait3A_86 = arith.constant 0 : i32
        %dma_wait3A_87 = tpu.memref_slice %arg8[%dma_wait3A_85, %dma_wait3A_86] : memref<16384x64xf32, #tpu.memory_space<vmem_shared>> -> memref<16384x64xf32, #tpu.memory_space<vmem_shared>>
        tpu.wait_indirect_dma semaphore(%run_scoped3A_71 : memref<!tpu.dma_semaphore, #tpu.memory_space<semaphore_mem>>) src(%dma_wait3A_81 : memref<128x64xf32, #tpu.memory_space<vmem>>) dst(%dma_wait3A_87 : memref<16384x64xf32, #tpu.memory_space<vmem_shared>>)
        tpu.yield
      }) : () -> ()
      %run_scoped3A_69 = arith.constant 7 : i32
      "tpu.region"() ({
        %run_scoped3A_71 = tpu.sem_alloc : memref<!tpu.dma_semaphore, #tpu.memory_space<semaphore_mem>>
        %dma_start3A = arith.constant 128 : i32
        %dma_start3A_72 = arith.constant 0 : i32
        %dma_start3A_73 = tpu.memref_slice %arg10[%dma_start3A, %dma_start3A_72] : memref<256x64xf32, #tpu.memory_space<vmem>> -> memref<128x64xf32, #tpu.memory_space<vmem>>
        %dma_start3A_74 = arith.constant 0 : i32
        %dma_start3A_75 = tpu.memref_slice %arg14[%run_scoped3A_69, %dma_start3A_74] : memref<8x128xi32, #tpu.memory_space<vmem>> -> memref<1x128xi32, #tpu.memory_space<vmem>>
        %dma_start3A_76 = tpu.memref_squeeze %dma_start3A_75 : memref<1x128xi32, #tpu.memory_space<vmem>> -> memref<128xi32, #tpu.memory_space<vmem>>
        %dma_start3A_77 = arith.constant 0 : i32
        %dma_start3A_78 = arith.constant 0 : i32
        %dma_start3A_79 = tpu.memref_slice %arg8[%dma_start3A_77, %dma_start3A_78] : memref<16384x64xf32, #tpu.memory_space<vmem_shared>> -> memref<16384x64xf32, #tpu.memory_space<vmem_shared>>
        tpu.enqueue_indirect_dma source(%dma_start3A_73 : memref<128x64xf32, #tpu.memory_space<vmem>>) target(%dma_start3A_79 : memref<16384x64xf32, #tpu.memory_space<vmem_shared>>) offsets(%dma_start3A_76 : memref<128xi32, #tpu.memory_space<vmem>>) semaphore(%run_scoped3A_71 : memref<!tpu.dma_semaphore, #tpu.memory_space<semaphore_mem>>) {add = true}
        %dma_wait3A = arith.constant 128 : i32
        %dma_wait3A_80 = arith.constant 0 : i32
        %dma_wait3A_81 = tpu.memref_slice %arg10[%dma_wait3A, %dma_wait3A_80] : memref<256x64xf32, #tpu.memory_space<vmem>> -> memref<128x64xf32, #tpu.memory_space<vmem>>
        %dma_wait3A_82 = arith.constant 0 : i32
        %dma_wait3A_83 = tpu.memref_slice %arg14[%run_scoped3A_69, %dma_wait3A_82] : memref<8x128xi32, #tpu.memory_space<vmem>> -> memref<1x128xi32, #tpu.memory_space<vmem>>
        %dma_wait3A_84 = tpu.memref_squeeze %dma_wait3A_83 : memref<1x128xi32, #tpu.memory_space<vmem>> -> memref<128xi32, #tpu.memory_space<vmem>>
        %dma_wait3A_85 = arith.constant 0 : i32
        %dma_wait3A_86 = arith.constant 0 : i32
        %dma_wait3A_87 = tpu.memref_slice %arg8[%dma_wait3A_85, %dma_wait3A_86] : memref<16384x64xf32, #tpu.memory_space<vmem_shared>> -> memref<16384x64xf32, #tpu.memory_space<vmem_shared>>
        tpu.wait_indirect_dma semaphore(%run_scoped3A_71 : memref<!tpu.dma_semaphore, #tpu.memory_space<semaphore_mem>>) src(%dma_wait3A_81 : memref<128x64xf32, #tpu.memory_space<vmem>>) dst(%dma_wait3A_87 : memref<16384x64xf32, #tpu.memory_space<vmem_shared>>)
        tpu.yield
      }) : () -> ()
      %barrier3A_70 = arith.constant 0 : index
      tpu.barrier barrier_id(%barrier3A_70)
      "tpu.region"() ({
        %run_scoped3A_71 = tpu.sem_alloc : memref<!tpu.dma_semaphore, #tpu.memory_space<semaphore_mem>>
        %dma_start3A = tpu.memref_slice %arg6[%mul3A_0, %mul3A_38] : memref<16384x2304xf32, #tpu.memory_space<hbm>> -> memref<1024x64xf32, #tpu.memory_space<hbm>>
        %dma_start3A_72 = arith.constant 0 : i32
        %dma_start3A_73 = tpu.memref_slice %arg8[%mul3A_0, %dma_start3A_72] : memref<16384x64xf32, #tpu.memory_space<vmem_shared>> -> memref<1024x64xf32, #tpu.memory_space<vmem_shared>>
        tpu.enqueue_dma source(%dma_start3A_73 : memref<1024x64xf32, #tpu.memory_space<vmem_shared>>) target(%dma_start3A : memref<1024x64xf32, #tpu.memory_space<hbm>>) target_semaphore(%run_scoped3A_71 : memref<!tpu.dma_semaphore, #tpu.memory_space<semaphore_mem>>)
        %dma_wait3A = tpu.memref_slice %arg6[%mul3A_0, %mul3A_38] : memref<16384x2304xf32, #tpu.memory_space<hbm>> -> memref<1024x64xf32, #tpu.memory_space<hbm>>
        %dma_wait3A_74 = arith.constant 0 : i32
        %dma_wait3A_75 = tpu.memref_slice %arg8[%mul3A_0, %dma_wait3A_74] : memref<16384x64xf32, #tpu.memory_space<vmem_shared>> -> memref<1024x64xf32, #tpu.memory_space<vmem_shared>>
        tpu.wait_dma2 semaphore(%run_scoped3A_71 : memref<!tpu.dma_semaphore, #tpu.memory_space<semaphore_mem>>) src(%dma_wait3A_75 : memref<1024x64xf32, #tpu.memory_space<vmem_shared>>) dst(%dma_wait3A : memref<1024x64xf32, #tpu.memory_space<hbm>>)
        tpu.yield
      }) : () -> ()
    }
    %scan3A_33 = arith.constant 18 : i32
    return
  }
}

module attributes {stable_mosaic.version = 14 : i64} {
  func.func @body(%arg0: i32, %arg1: memref<512x2324xf32, #tpu.memory_space<vmem>>, %arg2: memref<512x1xf32, #tpu.memory_space<vmem>>, %arg3: memref<512x24xf32, #tpu.memory_space<vmem>>, %arg4: memref<512x2304xf32, #tpu.memory_space<vmem>>, %arg5: memref<512x24xf32, #tpu.memory_space<vmem>>, %arg6: memref<512x2324xf32, #tpu.memory_space<vmem>>) attributes {dimension_semantics = [#tpu.dimension_semantics<arbitrary>], iteration_bounds = array<i64: 32>, scalar_prefetch = 0 : i64, scratch_operands = 0 : i64, tpu.core_type = #tpu.core_type<tc>, window_params = [{transform_indices = @transform_0, window_bounds = array<i64: 512, 2324>}, {transform_indices = @transform_1, window_bounds = array<i64: 512, 1>}, {transform_indices = @transform_2, window_bounds = array<i64: 512, 24>}, {transform_indices = @transform_3, window_bounds = array<i64: 512, 2304>}, {transform_indices = @transform_4, window_bounds = array<i64: 512, 24>}, {transform_indices = @transform_5, window_bounds = array<i64: 512, 2324>}]} {
    %get3A = arith.constant 0 : index
    %get3A_0 = arith.constant 0 : index
    %get3A_1 = vector.load %arg2[%get3A, %get3A_0] : memref<512x1xf32, #tpu.memory_space<vmem>>, vector<512x1xf32>
    %get3A_2 = arith.constant 0 : index
    %get3A_3 = arith.constant 0 : index
    %get3A_4 = vector.load %arg3[%get3A_2, %get3A_3] : memref<512x24xf32, #tpu.memory_space<vmem>>, vector<512x1xf32>
    %add3A = arith.addf %get3A_1, %get3A_4 : vector<512x1xf32>
    %div3A = arith.constant 1.000000e+00 : f32
    %div3A_5 = vector.broadcast %div3A : f32 to vector<512x1xf32>
    %div3A_6 = arith.divf %div3A_5, %add3A : vector<512x1xf32>
    %get3A_7 = arith.constant 0 : index
    %get3A_8 = arith.constant 0 : index
    %get3A_9 = vector.load %arg1[%get3A_7, %get3A_8] : memref<512x2324xf32, #tpu.memory_space<vmem>>, vector<512x2304xf32>
    %mul3A = vector.broadcast %get3A_1 : vector<512x1xf32> to vector<512x2304xf32>
    %mul3A_10 = arith.mulf %get3A_9, %mul3A : vector<512x2304xf32>
    %get3A_11 = arith.constant 0 : index
    %get3A_12 = arith.constant 0 : index
    %get3A_13 = vector.load %arg4[%get3A_11, %get3A_12] : memref<512x2304xf32, #tpu.memory_space<vmem>>, vector<512x2304xf32>
    %add3A_14 = arith.addf %mul3A_10, %get3A_13 : vector<512x2304xf32>
    %mul3A_15 = vector.broadcast %div3A_6 : vector<512x1xf32> to vector<512x2304xf32>
    %mul3A_16 = arith.mulf %add3A_14, %mul3A_15 : vector<512x2304xf32>
    %swap3A = arith.constant 0 : index
    %swap3A_17 = arith.constant 0 : index
    %swap3A_18 = vector.load %arg6[%swap3A, %swap3A_17] : memref<512x2324xf32, #tpu.memory_space<vmem>>, vector<512x2304xf32>
    tpu.vector_store %arg6[%swap3A, %swap3A_17], %mul3A_16 {strides = array<i32>} : memref<512x2324xf32, #tpu.memory_space<vmem>>, vector<512x2304xf32>,
    %get3A_19 = arith.constant 0 : index
    %get3A_20 = arith.constant 2304 : index
    %get3A_21 = vector.load %arg1[%get3A_19, %get3A_20] : memref<512x2324xf32, #tpu.memory_space<vmem>>, vector<512x20xf32>
    %mul3A_22 = vector.broadcast %get3A_1 : vector<512x1xf32> to vector<512x20xf32>
    %mul3A_23 = arith.mulf %get3A_21, %mul3A_22 : vector<512x20xf32>
    %get3A_24 = arith.constant 0 : index
    %get3A_25 = arith.constant 0 : index
    %get3A_26 = vector.load %arg5[%get3A_24, %get3A_25] : memref<512x24xf32, #tpu.memory_space<vmem>>, vector<512x20xf32>
    %add3A_27 = arith.addf %mul3A_23, %get3A_26 : vector<512x20xf32>
    %mul3A_28 = vector.broadcast %div3A_6 : vector<512x1xf32> to vector<512x20xf32>
    %mul3A_29 = arith.mulf %add3A_27, %mul3A_28 : vector<512x20xf32>
    %swap3A_30 = arith.constant 0 : index
    %swap3A_31 = arith.constant 2304 : index
    %swap3A_32 = vector.load %arg6[%swap3A_30, %swap3A_31] : memref<512x2324xf32, #tpu.memory_space<vmem>>, vector<512x20xf32>
    tpu.vector_store %arg6[%swap3A_30, %swap3A_31], %mul3A_29 {strides = array<i32>} : memref<512x2324xf32, #tpu.memory_space<vmem>>, vector<512x20xf32>,
    return
  }
  func.func @transform_0(%arg0: i32) -> (i32, i32) {
    %c0_i32 = arith.constant 0 : i32
    %c0_i32_0 = arith.constant 0 : i32
    return %arg0, %c0_i32 : i32, i32
  }
  func.func @transform_1(%arg0: i32) -> (i32, i32) {
    %c0_i32 = arith.constant 0 : i32
    %c0_i32_0 = arith.constant 0 : i32
    return %arg0, %c0_i32 : i32, i32
  }
  func.func @transform_2(%arg0: i32) -> (i32, i32) {
    %c0_i32 = arith.constant 0 : i32
    %c0_i32_0 = arith.constant 0 : i32
    return %arg0, %c0_i32 : i32, i32
  }
  func.func @transform_3(%arg0: i32) -> (i32, i32) {
    %c0_i32 = arith.constant 0 : i32
    %c0_i32_0 = arith.constant 0 : i32
    return %arg0, %c0_i32 : i32, i32
  }
  func.func @transform_4(%arg0: i32) -> (i32, i32) {
    %c0_i32 = arith.constant 0 : i32
    %c0_i32_0 = arith.constant 0 : i32
    return %arg0, %c0_i32 : i32, i32
  }
  func.func @transform_5(%arg0: i32) -> (i32, i32) {
    %c0_i32 = arith.constant 0 : i32
    %c0_i32_0 = arith.constant 0 : i32
    return %arg0, %c0_i32 : i32, i32
  }
}

</mosaic_0001>

<sc_bundles>
// kernel: kernel.4.cloned.1.call-start
scs
__scs_entry_jumppad:
0x0: {  	(pc) =	sbr.rel $0x88, $3  }
0x1: {  	(tag) =	ssettag $0x0;
	lr =	simm.s32 $0x1  }
0x2: {  	[smem:$0x3F9D] =	sst lr;
	_ =	strace $0xD0000000  }
0x3: {  	_ = 	snop  }
0x4: {  	_ = 	snop  }
0x5: {  	_ = 	snop  }
0x6: {  	_ = 	snop  }
0x7: {  	_ = 	snop  }
__scs_overlays_trampoline_lowered:
0x8: {  	[smem:$0x3FAC] =	sst s0  }
0x9: {  	[smem:$0x3FAD] =	sst s1  }
0xa: {  	[smem:$0x3FAE] =	sst s2  }
0xb: {  	[smem:$0x3FAF] =	sst s3  }
0xc: {  	[smem:$0x3FB0] =	sst s4  }
0xd: {  	[smem:$0x3FB1] =	sst s5  }
0xe: {  	[smem:$0x3FB2] =	sst s6  }
0xf: {  	[smem:$0x3FB3] =	sst s7  }
0x10: {  	[smem:$0x3FB4] =	sst s8  }
0x11: {  	[smem:$0x3FB5] =	sst s9;
	s0 =	simm.s32 @!p0 $0x0  }
0x12: {  	s1 =	sld [smem:$0x3F9B];
	s0 =	simm.s32 @p0 $0x1  }
0x13: {  	[smem:$0x3FB6] =	sst s0;
	s0 =	simm.s32 @!p1 $0x0  }
0x14: {  	s2 =	sld [smem:$0x3F9A];
	s0 =	simm.s32 @p1 $0x1  }
0x15: {  	[smem:$0x3FB7] =	sst s0;
	s0 =	simm.s32 @!p2 $0x0  }
0x16: {  	s3 =	sld [smem:$0x3FDB];
	s0 =	simm.s32 @p2 $0x1  }
0x17: {  	s4 =	simm.s32 $0x1BF5;
	[smem:$0x3FB9] =	sst s0  }
0x18: {  	s0 =	sld [smem:$0x3F9C];
	_ =	swait.ge [sflag:s4], $0x0  }
0x19: {  	s7 =	sld [smem:$0x3F9D]  }
0x1a: {  	s8 =	sadd.s32 $0xFFFFE003, lr  }
0x1b: {  	s9 =	sadd.s32 $0xFFFFFEF7, lr;
	s5 =	simm.s32 $0xFFFFFFFF;
	p2 =	slt.u32 s8, $0xFFFFF086  }
0x1c: {  	p1 =	slt.u32 s9, $0xF7A;
	s5 =	simm.s32 @!p2 $0x0  }
0x1d: {  	s5 =	simm.s32 @p1 $0x1;
	p0 =	seq.s32 s7, s2  }
0x1e: {  	s7 =	smul.u32 @!p0 $0xF7A, s2;
	p2 =	seq.s32 @!p0 s5, $0x0  }
0x1f: {  	s9 =	smul.u32 $0xF7A, s1;
	s8 =	simm.s32 @!p0 $0x1BF5;
	p2 =	por !p2, p0  }
0x20: {  	[sflag:s8] =	ssyncset.s32 @!p0 $0xFFFFF086;
	s6 =	sadd.s32 @!p0 s3, s7;
	s7 =	simm.s32 @!p0 $0x108  }
0x21: {  	s3 =	sadd.s32 s3, s9;
	s6 =	sadd.s32 @!p0 $0x88, s6;
	s7 =	simm.s32 @p2 $0x1082  }
0x22: {  	[simem:s7], [sflag:s8] =	dma.local @!p0 [hbm:s6], $0xF7A  }
0x23: {  	s9 =	sor.u32 $0xD0000000, s2;
	s6 =	simm.s32 $0x108;
	_ =	swait.ge @!p0 [sflag:s8], $0x0  }
0x24: {  	s3 =	sadd.s32 $0x88, s3;
	s6 =	simm.s32 @!p1 $0x1082;
	[sflag:s4] =	ssyncset.s32 $0xFFFFF086  }
0x25: {  	[simem:s6], [sflag:s4] =	dma.local [hbm:s3], $0xF7A  }
0x26: {  	[smem:$0x3F9D] =	sst s1;
	(tag) =	ssettag s2;
	_ =	strace s9  }
0x27: {  	s1 =	sld [smem:$0x3FAD]  }
0x28: {  	s2 =	sld [smem:$0x3FAE]  }
0x29: {  	s4 =	sld [smem:$0x3FB0]  }
0x2a: {  	p0 =	seq.s32 s5, $0x0;
	s5 =	sld [smem:$0x3FB1]  }
0x2b: {  	s6 =	sld [smem:$0x3FB2]  }
0x2c: {  	s7 =	sld [smem:$0x3FB3]  }
0x2d: {  	s3 =	simm.s32 $0x108;
	s8 =	sld [smem:$0x3FB4]  }
0x2e: {  	s3 =	simm.s32 @!p0 $0x1082;
	s9 =	sld [smem:$0x3FB5]  }
0x2f: {  	lr =	sadd.s32 s0, s3;
	s0 =	sld [smem:$0x3FAC]  }
0x30: {  	s3 =	sld [smem:$0x3FAF]  }
0x31: {  	[smem:$0x3FB8] =	sst s10  }
0x32: {  	s10 =	sld [smem:$0x3FB6];
	_ =	sdelay $0x3  }
0x33: {  	p0 =	seq.s32 s10, $0x1;
	s10 =	sld [smem:$0x3FB8];
	_ =	sdelay $0x3  }
0x34: {  	[smem:$0x3FB8] =	sst s10  }
0x35: {  	s10 =	sld [smem:$0x3FB7];
	_ =	sdelay $0x3  }
0x36: {  	p1 =	seq.s32 s10, $0x1;
	s10 =	sld [smem:$0x3FB8];
	_ =	sdelay $0x3  }
0x37: {  	[smem:$0x3FB8] =	sst s10  }
0x38: {  	s10 =	sld [smem:$0x3FB9]  }
0x39: {  	_ = 	snop;
	(pc) =	sbr.ind lr, $3  }
0x3a: {  	_ = 	snop  }
0x3b: {  	_ = 	snop  }
0x3c: {  	p2 =	seq.s32 s10, $0x1;
	s10 =	sld [smem:$0x3FB8]  }
0x3d: {  	_ =	shalt  }
0x3e: {  	_ =	shalt  }
0x3f: {  	_ =	shalt  }
0x40: {  	_ =	shalt  }
0x41: {  	_ =	shalt  }
0x42: {  	_ =	shalt  }
0x43: {  	_ =	shalt  }
0x44: {  	_ =	shalt  }
0x45: {  	_ =	shalt  }
0x46: {  	_ =	shalt  }
0x47: {  	_ =	shalt  }
0x48: {  	_ =	shalt  }
0x49: {  	_ =	shalt  }
0x4a: {  	_ =	shalt  }
0x4b: {  	_ =	shalt  }
0x4c: {  	_ =	shalt  }
0x4d: {  	_ =	shalt  }
0x4e: {  	_ =	shalt  }
0x4f: {  	_ =	shalt  }
0x50: {  	_ =	shalt  }
0x51: {  	_ =	shalt  }
0x52: {  	_ =	shalt  }
0x53: {  	_ =	shalt  }
0x54: {  	_ =	shalt  }
0x55: {  	_ =	shalt  }
0x56: {  	_ =	shalt  }
0x57: {  	_ =	shalt  }
0x58: {  	_ =	shalt  }
0x59: {  	_ =	shalt  }
0x5a: {  	_ =	shalt  }
0x5b: {  	_ =	shalt  }
0x5c: {  	_ =	shalt  }
0x5d: {  	_ =	shalt  }
0x5e: {  	_ =	shalt  }
0x5f: {  	_ =	shalt  }
0x60: {  	_ =	shalt  }
0x61: {  	_ =	shalt  }
0x62: {  	_ =	shalt  }
0x63: {  	_ =	shalt  }
0x64: {  	_ =	shalt  }
0x65: {  	_ =	shalt  }
0x66: {  	_ =	shalt  }
0x67: {  	_ =	shalt  }
0x68: {  	_ =	shalt  }
0x69: {  	_ =	shalt  }
0x6a: {  	_ =	shalt  }
0x6b: {  	_ =	shalt  }
0x6c: {  	_ =	shalt  }
0x6d: {  	_ =	shalt  }
0x6e: {  	_ =	shalt  }
0x6f: {  	_ =	shalt  }
0x70: {  	_ =	shalt  }
0x71: {  	_ =	shalt  }
0x72: {  	_ =	shalt  }
0x73: {  	_ =	shalt  }
0x74: {  	_ =	shalt  }
0x75: {  	_ =	shalt  }
0x76: {  	_ =	shalt  }
0x77: {  	_ =	shalt  }
0x78: {  	_ =	shalt  }
0x79: {  	_ =	shalt  }
0x7a: {  	_ =	shalt  }
0x7b: {  	_ =	shalt  }
0x7c: {  	_ =	shalt  }
0x7d: {  	_ =	shalt  }
0x7e: {  	_ =	shalt  }
0x7f: {  	_ =	shalt  }
0x80: {  	_ =	shalt  }
0x81: {  	_ =	shalt  }
0x82: {  	_ =	shalt  }
0x83: {  	_ =	shalt  }
0x84: {  	_ =	shalt  }
0x85: {  	_ =	shalt  }
0x86: {  	_ =	shalt  }
0x87: {  	_ =	shalt  }
.Lfunc_end0:
.L_simem_size_0:
called_computation_lowered:
.L_overlay_start_0:
0x88: {  	s2 =	sld [smem:$0x3FD9]  }
0x89: {  	s3 =	sld [smem:$0x3FFE];
	_ =	sdelay $0x1  }
0x8a: {  	s1 =	srdreg.scid  }
0x8b: {  	s0 =	sand.u32 $0x1, s1  }
0x8c: {  	s17 =	sshll.u32 s0, $0xA;
	s2 =	sadd.s32 s3, s2  }
0x8d: {  	s2 =	sadd.s32 s2, s17  }
0x8e: {  	[smem:$0x3FC4] =	sst s2  }
0x8f: {  	_ = 	snop  }
0x90: {  	s2 =	sld [smem:$0x3FC7]  }
0x91: {  	s18 =	sld [smem:$0x3FD0];
	(tm) =	ssettm $0x1  }
0x92: {  	s4 =	sld [smem:$0x3FFB];
	_ =	sdelay $0x3  }
0x93: {  	_ =	strace s4  }
0x94: {  	s4 =	sld [smem:$0x3FFC];
	_ =	sdelay $0x3  }
0x95: {  	_ =	strace s4  }
0x96: {  	s4 =	sld [smem:$0x3FFD];
	_ =	sdelay $0x3  }
0x97: {  	_ =	strace s4  }
0x98: {  	_ =	strace $0x8FFFFFFF  }
0x99: {  	s19 =	sld [smem:$0x3FDB];
	_ =	sdelay $0x1  }
0x9a: {  	s5 =	simm.s32 $_scs_section_size  }
0x9b: {  	s6 =	simm.s32 $_size__tile_overlayer_lowered;
	s7 =	simm.s32 $_tile_overlayer_lowered  }
0x9c: {  	s22 =	simm.s32 $0x1BFF;
	s21 =	sshll.u32 s7, $0x1;
	s4 =	sadd.s32 s5, s19  }
0x9d: {  	s8 =	simm.s32 $0x0;
	s20 =	sshll.u32 s6, $0x1;
	s6 =	sadd.s32 s21, s4  }
0x9e: {  	[timem:s8], [sflag:s22] =	dma.local [hbm:s6], s20  }
0x9f: {  	_ =	swait.ge [sflag:s22], s20  }
0xa0: {  	s5 =	ssub.s32 $0x0, s20;
	[sflag:s22] =	ssyncset.done $0x0  }
0xa1: {  	[sflag:s22] =	ssyncadd.s32 s5;
	_ =	sdelay $0x1  }
0xa2: {  	s23 =	simm.s32 $0x1B8B  }
0xa3: {  	_ =	swait.ge [sflag:s23], $0x1  }
0xa4: {  	[sflag:s23] =	ssyncset.done $0x0  }
0xa5: {  	s25 =	simm.s32 $0x1B8E;
	s24 =	sld [smem:$0x3FFE];
	[sflag:s23] =	ssyncadd.s32 $0xFFFFFFFF  }
0xa6: {  	s26 =	simm.s32 $execute0_lowered;
	[smem:$0x3FD2] =	sst s25  }
0xa7: {  	s6 =	sshll.u32 s26, $0x1;
	_ =	strace $0x80000046;
	[dreg:$0x1] =	wrdreg $0xFFFFFFFF  }
0xa8: {  	s28 =	simm.s32 $_size_execute0_lowered;
	s4 =	sadd.s32 s4, s6;
	[dreg:$0x0] =	wrdreg $0x0  }
0xa9: {  	s6 =	sshll.u32 s28, $0x1;
	[dreg:$0x2] =	wrdreg s4  }
0xaa: {  	[dreg:$0x3] =	wrdreg s6  }
0xab: {  	[dreg:$0x4] =	wrdreg $0xC0  }
0xac: {  	_ =	task [dreg:s8], $0x5FFFF  }
0xad: {  	[dreg:$0x1] =	wrdreg $0xFFFFFFFF  }
0xae: {  	[dreg:$0x0] =	wrdreg $0x60  }
0xaf: {  	[dreg:$0x2] =	wrdreg s2  }
0xb0: {  	[dreg:$0x3] =	wrdreg s18  }
0xb1: {  	[dreg:$0x4] =	wrdreg s24  }
0xb2: {  	[dreg:$0x5] =	wrdreg $0x100000  }
0xb3: {  	[dreg:$0x6] =	wrdreg $0x0  }
0xb4: {  	[dreg:$0x7] =	wrdreg $0x9  }
0xb5: {  	_ =	task.clear_ibuf [dreg:s8], $0x8FFFF;
	_ =	strace $0x90000046  }
0xb6: {  	s29 =	simm.s32 $0x9;
	_ =	strace $0x80000048  }
0xb7: {  	_ =	swait.ge [sflag:s29], $0x1  }
0xb8: {  	[sflag:s29] =	ssyncadd.s32 $0xFFFFFFFF  }
0xb9: {  	_ =	strace $0x90000048  }
0xba: {  	_ =	sfence  }
0xbb: {  	s30 =	sld [smem:$0x0];
	_ =	sdelay $0x2  }
0xbc: {  	s31 =	sshll.u32 s1, $0xD;
	s1 =	sshrl.u32 s1, $0x2  }
0xbd: {  	s3 =	sand.u32 $0x4000, s31;
	s1 =	sadd.s32 s1, s30  }
0xbe: {  	s0 =	sor.u32 s3, s0;
	s1 =	sshll.u32 s1, $0x11  }
0xbf: {  	s0 =	sor.u32 s1, s0  }
0xc0: {  	s0 =	sadd.s32 $0x8F2B, s0  }
0xc1: {  	[sflag:s0] =	ssyncadd.remote.s32 $0x1  }
0xc2: {  	_ =	sfence.sel $0xFFFF  }
0xc3: {  	[dreg:$0x0] =	wrdreg $0xFFFFFFFF;
	(pc) =	sbr.abs _section_cstart, $3  }
0xc4: {  	[dreg:$0x1] =	wrdreg $0xFFFFFFFF  }
0xc5: {  	_ =	task.clear_ibuf [dreg:s8], $0x2FFFF;
	_ =	strace $0x9FFFFFFF  }
0xc6: {  	(tm) =	ssettm $0x7FFFFFFF  }
0xc7: {  	_ =	shalt  }
tec
execute0_lowered:
.L_overlay_start_1:
0x0: {  	(tag) =	ssettag $0x1  }
0x1: {  	s2 =	rddreg [dreg:$0x0]  }
0x2: {  	s0 =	rddreg [dreg:$0x1]  }
0x3: {  	s4 =	rddreg [dreg:$0x2]  }
0x4: {  	s31 =	rddreg [dreg:$0x3]  }
0x5: {  	s3 =	rddreg [dreg:$0x4];
	s5 =	simm.s32 $0x0  }
0x6: {  	s1 =	srdreg.scid;
	s14 =	stileid.u32;
	s29 =	simm.s32 $0x1  }
0x7: {  	s30 =	simm.s32 $0x80;
	[smem:$0x7FF] =	sst s5;
	s6 =	smul.u32 $0x240000, s14  }
0x8: {  	s28 =	sand.u32 $0x1, s1;
	s1 =	sadd.s32 $0x1400, s4;
	s10 =	smul.u32 $0x18000, s14  }
0x9: {  	s8 =	sadd.s32 $0x48D400, s4;
	s12 =	sshll.u32 s14, $0x7;
	s18 =	smul.u32 $0x6000, s14  }
0xa: {  	s15 =	sshll.u32 s14, $0x10;
	s14 =	smul.u32 $0x246000, s14;
	_ =	strace $0x80000047  }
0xb: {  	s7 =	sshll.u32 s28, $0x6;
	[dreg:$0xe] =	wrdreg s8;
	s11 =	ssub.s32 $0x2, s28  }
0xc: {  	s2 =	sadd.s32 s2, s12;
	p0 =	seq.s32 s28, $0x1;
	s6 =	sor.u32 s7, s6  }
0xd: {  	s9 =	sshrl.u32 s11, $0x1;
	s13 =	sshrl.u32 s10, $0x2;
	[dreg:$0x10] =	wrdreg s2  }
0xe: {  	s8 =	sadd.s32 s18, s31;
	s19 =	sor.u32 $0x1800, s18;
	s20 =	sadd.s32 $0x3000, s18  }
0xf: {  	s10 =	sadd.s32 s15, s3;
	s21 =	sadd.s32 $0x4800, s18;
	s18 =	sshrl.u32 s18, $0x3  }
0x10: {  	s7 =	sor.u32 s7, s14;
	s6 =	sshrl.u32 s6, $0x3;
	[dreg:$0x11] =	wrdreg s18  }
0x11: {  	s2 =	sadd.s32 s13, s31;
	s5 =	sadd.s32 $0x2000, s10;
	[dreg:$0x17] =	wrdreg s8  }
0x12: {  	s12 =	sadd.s32 s20, s31;
	s16 =	sadd.s32 $0x4000, s10;
	[dreg:$0x6] =	wrdreg s5  }
0x13: {  	s17 =	sadd.s32 $0x6000, s10;
	s22 =	sadd.s32 $0x8000, s10;
	[dreg:$0x7] =	wrdreg s16  }
0x14: {  	s23 =	sadd.s32 $0xA000, s10;
	s24 =	sadd.s32 $0xC000, s10;
	[dreg:$0x8] =	wrdreg s17  }
0x15: {  	s14 =	sadd.s32 $0x91800, s7;
	s25 =	sadd.s32 $0xE000, s10;
	[dreg:$0x9] =	wrdreg s22  }
0x16: {  	s28 =	sadd.s32 $0x1B4800, s7;
	s15 =	sadd.s32 $0x123000, s7;
	[dreg:$0xa] =	wrdreg s23  }
0x17: {  	s6 =	sadd.s32 s6, s4;
	s4 =	sadd.s32 $0x499400, s4;
	[dreg:$0xb] =	wrdreg s24  }
0x18: {  	s13 =	sadd.s32 $0x3C00, s2;
	s14 =	sshrl.u32 s14, $0x3;
	[dreg:$0xc] =	wrdreg s25  }
0x19: {  	s16 =	sshrl.u32 s7, $0x3;
	s17 =	sshrl.u32 s15, $0x3;
	s22 =	sshrl.u32 s19, $0x3  }
0x1a: {  	s23 =	sshrl.u32 s20, $0x3;
	s25 =	sshrl.u32 s21, $0x3;
	s19 =	simm.s32 $0x1E480  }
0x1b: {  	s20 =	simm.s32 $0x1E500;
	s7 =	simm.s32 $0x16000;
	[dreg:$0x1a] =	wrdreg s12  }
0x1c: {  	s5 =	simm.s32 $0x0;
	[dreg:$0xf] =	wrdreg s4;
	s4 =	ssub.s32 s11, s9  }
0x1d: {  	s9 =	sadd.s32 $0xC00, s2;
	s11 =	sadd.s32 $0x2400, s2;
	s26 =	sadd.s32 s14, s0  }
0x1e: {  	s14 =	sshrl.u32 s28, $0x3;
	s15 =	sadd.s32 s16, s0;
	s16 =	sadd.s32 s17, s0  }
0x1f: {  	s17 =	sadd.s32 s21, s31;
	s24 =	sadd.s32 s1, s23;
	[dreg:$0x1b] =	wrdreg s13  }
0x20: {  	s23 =	sadd.s32 $0x5400, s2;
	s21 =	simm.s32 $0x1E580;
	[dreg:$0xd] =	wrdreg s26  }
0x21: {  	s14 =	sadd.s32 s14, s0;
	s0 =	sadd.s32 s1, s22;
	[dreg:$0x13] =	wrdreg s24  }
0x22: {  	s26 =	sadd.s32 s1, s18;
	s24 =	sadd.s32 $0x1800, s2;
	[dreg:$0x18] =	wrdreg s9  }
0x23: {  	s28 =	smax.u32 s4, $0x1;
	s18 =	simm.s32 $0x1E600;
	[dreg:$0x19] =	wrdreg s11  }
0x24: {  	s22 =	simm.s32 $0x1B800;
	s2 =	simm.s32 $0x40;
	[dreg:$0x12] =	wrdreg s0  }
0x25: {  	s4 =	simm.s32 $0x918;
	s0 =	sadd.s32 s1, s25;
	[dreg:$0x15] =	wrdreg s26  }
0x26: {  	[dreg:$0x16] =	wrdreg s28;
	s26 =	sadd.s32 $0xD400, s6;
	s6 =	simm.s32 $0x1E400  }
0x27: {  	v0 =	vimm.f32 $0.0e+00;
	v1 =	vimm.f32 $1.000000000e+00;
	s1 =	simm.s32 $0x1E680;
	s25 =	simm.s32 $0x18000;
	[dreg:$0x14] =	wrdreg s0  }
.LBB2_1:
0x28: {  	[dreg:$0x1c] =	wrdreg s5;
	s0 =	simm.s32 $0x0  }
.LBB2_2:
0x29: {  	p1 =	sne.s32 s0, $0x7F00  }
.Ltmp0:
0x2a: {  	s5 =	sshra.s32 s0, $0x2;
	(pc) =	sbr.rel @p1 .LBB2_2-.Ltmp0, $4  }
0x2b: {  	[tilespmem:s5+$0x1B800] =	vst v0  }
0x2c: {  	[tilespmem:s5+$0x1B810] =	vst v0  }
0x2d: {  	[tilespmem:s5+$0x1B820] =	vst v0  }
0x2e: {  	s0 =	sadd.s32 $0x100, s0;
	[tilespmem:s5+$0x1B830] =	vst v0  }
0x2f: {  	s5 =	simm.s32 $0x0  }
0x30: {  	s0 =	simm.s32 $0x60;
	[tilespmem:s5+$0x1D800] =	vst v1  }
.LBB2_4:
0x31: {  	p1 =	sne.s32 s0, $0x2FA0;
	[tilespmem:s5+$0x1D808] =	vst v1;
	s5 =	smov.u32 s0;
	s0 =	sadd.s32 $0x60, s0  }
.Ltmp1:
0x32: {  	(pc) =	sbr.rel @p1 .LBB2_4-.Ltmp1, $3  }
0x33: {  	_ =	sdelay $0x1  }
0x34: {  	s5 =	sshra.s32 s5, $0x2  }
0x35: {  	[tilespmem:s5+$0x1D800] =	vst v1  }
.Ltmp2:
0x36: {  	[tilespmem:s5+$0x1D808] =	vst v1;
	s5 =	simm.s32 $0x0;
	s0 =	rddreg [dreg:$0x10];
	(pc) =	sbr.rel @!p0 .LBB2_6-.Ltmp2, $4  }
0x37: {  	[tilespmem:s6], [sflag:$0x1] =	stream.linear.gather [hbm4b:s0+s5], $0x400, $0x38;
	[tilespmem:$0x1E800] =	vst v63  }
0x38: {  	_ =	swait.ge [sflag:s29], $0x400  }
0x39: {  	s28 =	sshra.s32 s5, $0x2;
	[sflag:s29] =	ssyncset.done $0x0  }
0x3a: {  	s0 =	simm.s32 $0x1B800;
	s28 =	sadd.s32 s28, s8;
	[sflag:s29] =	ssyncadd.s32 $0xFFFFFC00  }
0x3b: {  	[spmem:s28] =	stream.linear.scatter [tilespmem:s0], [sflag:$0x1], $0x18, $0x38;
	[tilespmem:$0x1E800] =	vst v63  }
0x3c: {  	s5 =	sadd.s32 $0x60, s5  }
.LBB2_24:
0x3d: {  	p1 =	sne.s32 s5, $0x2FA0  }
.Ltmp3:
0x3e: {  	_ = 	snop;
	(pc) =	sbr.rel @p1 .LBB2_24-.Ltmp3, $4  }
0x3f: {  	_ = 	snop  }
0x40: {  	s28 =	sshra.s32 s5, $0x2;
	s5 =	sadd.s32 $0x60, s5  }
0x41: {  	s0 =	sadd.s32 $0x40, s0;
	s28 =	sadd.s32 s28, s8  }
0x42: {  	[spmem:s28] =	stream.linear.scatter [tilespmem:s0], [sflag:$0x1], $0x18, $0x38;
	[tilespmem:$0x1E800] =	vst v63  }
0x43: {  	_ =	swait.ge [sflag:s29], $0xC00  }
0x44: {  	[sflag:s29] =	ssyncset.done $0x0  }
0x45: {  	s0 =	simm.s32 $0x1B800;
	s5 =	sadd.s32 $0x0, s9;
	[sflag:s29] =	ssyncadd.s32 $0xFFFFF400  }
0x46: {  	[spmem:s5] =	stream.linear.scatter [tilespmem:s0], [sflag:$0x1], $0x18, $0x38;
	[tilespmem:$0x1E800] =	vst v63  }
0x47: {  	s5 =	simm.s32 $0x60  }
.LBB2_26:
0x48: {  	p1 =	sne.s32 s5, $0x2FA0  }
.Ltmp4:
0x49: {  	_ = 	snop;
	(pc) =	sbr.rel @p1 .LBB2_26-.Ltmp4, $4  }
0x4a: {  	_ = 	snop  }
0x4b: {  	s28 =	sshra.s32 s5, $0x2;
	s5 =	sadd.s32 $0x60, s5  }
0x4c: {  	s0 =	sadd.s32 $0x40, s0;
	s28 =	sadd.s32 s28, s9  }
0x4d: {  	[spmem:s28] =	stream.linear.scatter [tilespmem:s0], [sflag:$0x1], $0x18, $0x38;
	[tilespmem:$0x1E800] =	vst v63  }
0x4e: {  	_ =	swait.ge [sflag:s29], $0xC00  }
0x4f: {  	[sflag:s29] =	ssyncset.done $0x0  }
0x50: {  	s0 =	simm.s32 $0x1B800;
	s5 =	sadd.s32 $0x0, s24;
	[sflag:s29] =	ssyncadd.s32 $0xFFFFF400  }
0x51: {  	[spmem:s5] =	stream.linear.scatter [tilespmem:s0], [sflag:$0x1], $0x18, $0x38;
	[tilespmem:$0x1E800] =	vst v63  }
0x52: {  	s5 =	simm.s32 $0x60  }
.LBB2_28:
0x53: {  	p1 =	sne.s32 s5, $0x2FA0  }
.Ltmp5:
0x54: {  	_ = 	snop;
	(pc) =	sbr.rel @p1 .LBB2_28-.Ltmp5, $4  }
0x55: {  	_ = 	snop  }
0x56: {  	s28 =	sshra.s32 s5, $0x2;
	s5 =	sadd.s32 $0x60, s5  }
0x57: {  	s0 =	sadd.s32 $0x40, s0;
	s28 =	sadd.s32 s28, s24  }
0x58: {  	[spmem:s28] =	stream.linear.scatter [tilespmem:s0], [sflag:$0x1], $0x18, $0x38;
	[tilespmem:$0x1E800] =	vst v63  }
0x59: {  	_ =	swait.ge [sflag:s29], $0xC00  }
0x5a: {  	[sflag:s29] =	ssyncset.done $0x0  }
0x5b: {  	s0 =	simm.s32 $0x1B800;
	s5 =	sadd.s32 $0x0, s11;
	[sflag:s29] =	ssyncadd.s32 $0xFFFFF400  }
0x5c: {  	[spmem:s5] =	stream.linear.scatter [tilespmem:s0], [sflag:$0x1], $0x18, $0x38;
	[tilespmem:$0x1E800] =	vst v63  }
0x5d: {  	s5 =	simm.s32 $0x60  }
.LBB2_30:
0x5e: {  	p1 =	sne.s32 s5, $0x2FA0  }
.Ltmp6:
0x5f: {  	_ = 	snop;
	(pc) =	sbr.rel @p1 .LBB2_30-.Ltmp6, $4  }
0x60: {  	_ = 	snop  }
0x61: {  	s28 =	sshra.s32 s5, $0x2;
	s5 =	sadd.s32 $0x60, s5  }
0x62: {  	s0 =	sadd.s32 $0x40, s0;
	s28 =	sadd.s32 s28, s11  }
0x63: {  	[spmem:s28] =	stream.linear.scatter [tilespmem:s0], [sflag:$0x1], $0x18, $0x38;
	[tilespmem:$0x1E800] =	vst v63  }
0x64: {  	_ =	swait.ge [sflag:s29], $0xC00  }
0x65: {  	[sflag:s29] =	ssyncset.done $0x0  }
0x66: {  	s0 =	simm.s32 $0x1B800;
	s5 =	sadd.s32 $0x0, s12;
	[sflag:s29] =	ssyncadd.s32 $0xFFFFF400  }
0x67: {  	[spmem:s5] =	stream.linear.scatter [tilespmem:s0], [sflag:$0x1], $0x18, $0x38;
	[tilespmem:$0x1E800] =	vst v63  }
0x68: {  	s5 =	simm.s32 $0x60  }
.LBB2_32:
0x69: {  	p1 =	sne.s32 s5, $0x2FA0  }
.Ltmp7:
0x6a: {  	_ = 	snop;
	(pc) =	sbr.rel @p1 .LBB2_32-.Ltmp7, $4  }
0x6b: {  	_ = 	snop  }
0x6c: {  	s28 =	sshra.s32 s5, $0x2;
	s5 =	sadd.s32 $0x60, s5  }
0x6d: {  	s0 =	sadd.s32 $0x40, s0;
	s28 =	sadd.s32 s28, s12  }
0x6e: {  	[spmem:s28] =	stream.linear.scatter [tilespmem:s0], [sflag:$0x1], $0x18, $0x38;
	[tilespmem:$0x1E800] =	vst v63  }
0x6f: {  	_ =	swait.ge [sflag:s29], $0xC00  }
0x70: {  	[sflag:s29] =	ssyncset.done $0x0  }
0x71: {  	s0 =	simm.s32 $0x1B800;
	s5 =	sadd.s32 $0x0, s13;
	[sflag:s29] =	ssyncadd.s32 $0xFFFFF400  }
0x72: {  	[spmem:s5] =	stream.linear.scatter [tilespmem:s0], [sflag:$0x1], $0x18, $0x38;
	[tilespmem:$0x1E800] =	vst v63  }
0x73: {  	s5 =	simm.s32 $0x60  }
.LBB2_34:
0x74: {  	p1 =	sne.s32 s5, $0x2FA0  }
.Ltmp8:
0x75: {  	_ = 	snop;
	(pc) =	sbr.rel @p1 .LBB2_34-.Ltmp8, $4  }
0x76: {  	_ = 	snop  }
0x77: {  	s28 =	sshra.s32 s5, $0x2;
	s5 =	sadd.s32 $0x60, s5  }
0x78: {  	s0 =	sadd.s32 $0x40, s0;
	s28 =	sadd.s32 s28, s13  }
0x79: {  	[spmem:s28] =	stream.linear.scatter [tilespmem:s0], [sflag:$0x1], $0x18, $0x38;
	[tilespmem:$0x1E800] =	vst v63  }
0x7a: {  	_ =	swait.ge [sflag:s29], $0xC00  }
0x7b: {  	[sflag:s29] =	ssyncset.done $0x0  }
0x7c: {  	s0 =	simm.s32 $0x1B800;
	s5 =	sadd.s32 $0x0, s17;
	[sflag:s29] =	ssyncadd.s32 $0xFFFFF400  }
0x7d: {  	[spmem:s5] =	stream.linear.scatter [tilespmem:s0], [sflag:$0x1], $0x18, $0x38;
	[tilespmem:$0x1E800] =	vst v63  }
0x7e: {  	s5 =	simm.s32 $0x60  }
.LBB2_36:
0x7f: {  	p1 =	sne.s32 s5, $0x2FA0  }
.Ltmp9:
0x80: {  	_ = 	snop;
	(pc) =	sbr.rel @p1 .LBB2_36-.Ltmp9, $4  }
0x81: {  	_ = 	snop  }
0x82: {  	s28 =	sshra.s32 s5, $0x2;
	s5 =	sadd.s32 $0x60, s5  }
0x83: {  	s0 =	sadd.s32 $0x40, s0;
	s28 =	sadd.s32 s28, s17  }
0x84: {  	[spmem:s28] =	stream.linear.scatter [tilespmem:s0], [sflag:$0x1], $0x18, $0x38;
	[tilespmem:$0x1E800] =	vst v63  }
0x85: {  	_ =	swait.ge [sflag:s29], $0xC00  }
0x86: {  	[sflag:s29] =	ssyncset.done $0x0  }
0x87: {  	s0 =	simm.s32 $0x1B800;
	s5 =	sadd.s32 $0x0, s23;
	[sflag:s29] =	ssyncadd.s32 $0xFFFFF400  }
0x88: {  	[spmem:s5] =	stream.linear.scatter [tilespmem:s0], [sflag:$0x1], $0x18, $0x38;
	[tilespmem:$0x1E800] =	vst v63  }
0x89: {  	s5 =	simm.s32 $0x60  }
.LBB2_38:
0x8a: {  	p1 =	sne.s32 s5, $0x2FA0  }
.Ltmp10:
0x8b: {  	_ = 	snop;
	(pc) =	sbr.rel @p1 .LBB2_38-.Ltmp10, $4  }
0x8c: {  	_ = 	snop  }
0x8d: {  	s28 =	sshra.s32 s5, $0x2;
	s5 =	sadd.s32 $0x60, s5  }
0x8e: {  	s0 =	sadd.s32 $0x40, s0;
	s28 =	sadd.s32 s28, s23  }
0x8f: {  	[spmem:s28] =	stream.linear.scatter [tilespmem:s0], [sflag:$0x1], $0x18, $0x38;
	[tilespmem:$0x1E800] =	vst v63  }
0x90: {  	_ =	swait.ge [sflag:s29], $0xC00  }
0x91: {  	[sflag:s29] =	ssyncset.done $0x0  }
0x92: {  	[sflag:s29] =	ssyncadd.s32 $0xFFFFF400  }
0x93: {  	s0 =	simm.s32 $0x1D800;
	[bflag:$0x0] =	sbarrier.arrive $0xFFFF  }
0x94: {  	[spmem:s31] =	stream.indirect.scatter.add.f32 [tilespmem:s0], [sflag:$0x1], $0x18, s6, s30, $0xb8;
	[tilespmem:$0x1E800] =	vst v63  }
0x95: {  	_ =	swait.ge [sflag:s29], $0xC00  }
0x96: {  	[sflag:s29] =	ssyncset.done $0x0  }
0x97: {  	[sflag:s29] =	ssyncadd.s32 $0xFFFFF400  }
0x98: {  	[spmem:s31] =	stream.indirect.scatter.add.f32 [tilespmem:s0], [sflag:$0x1], $0x18, s19, s30, $0xb8;
	[tilespmem:$0x1E800] =	vst v63  }
0x99: {  	_ =	swait.ge [sflag:s29], $0xC00  }
0x9a: {  	[sflag:s29] =	ssyncset.done $0x0  }
0x9b: {  	[sflag:s29] =	ssyncadd.s32 $0xFFFFF400  }
0x9c: {  	[spmem:s31] =	stream.indirect.scatter.add.f32 [tilespmem:s0], [sflag:$0x1], $0x18, s20, s30, $0xb8;
	[tilespmem:$0x1E800] =	vst v63  }
0x9d: {  	_ =	swait.ge [sflag:s29], $0xC00  }
0x9e: {  	[sflag:s29] =	ssyncset.done $0x0  }
0x9f: {  	[sflag:s29] =	ssyncadd.s32 $0xFFFFF400  }
0xa0: {  	[spmem:s31] =	stream.indirect.scatter.add.f32 [tilespmem:s0], [sflag:$0x1], $0x18, s21, s30, $0xb8;
	[tilespmem:$0x1E800] =	vst v63  }
0xa1: {  	_ =	swait.ge [sflag:s29], $0xC00  }
0xa2: {  	[sflag:s29] =	ssyncset.done $0x0  }
0xa3: {  	[sflag:s29] =	ssyncadd.s32 $0xFFFFF400  }
0xa4: {  	[spmem:s31] =	stream.indirect.scatter.add.f32 [tilespmem:s0], [sflag:$0x1], $0x18, s18, s30, $0xb8;
	[tilespmem:$0x1E800] =	vst v63  }
0xa5: {  	_ =	swait.ge [sflag:s29], $0xC00  }
0xa6: {  	[sflag:s29] =	ssyncset.done $0x0  }
.Ltmp11:
0xa7: {  	[sflag:s29] =	ssyncadd.s32 $0xFFFFF400;
	(pc) =	sbr.rel .LBB2_40-.Ltmp11, $4  }
0xa8: {  	[spmem:s31] =	stream.indirect.scatter.add.f32 [tilespmem:s0], [sflag:$0x1], $0x18, s1, s30, $0xb8;
	[tilespmem:$0x1E800] =	vst v63  }
0xa9: {  	_ =	swait.ge [sflag:s29], $0xC00  }
0xaa: {  	[sflag:s29] =	ssyncset.done $0x0  }
0xab: {  	s5 =	simm.s32 $0x1D800;
	s28 =	rddreg [dreg:$0xe];
	[sflag:s29] =	ssyncadd.s32 $0xFFFFF400  }
.LBB2_6:
0xac: {  	[spmem:s28] =	stream.linear.scatter [tilespmem:s0], [sflag:$0x1], $0x18, $0x38;
	[tilespmem:$0x1E800] =	vst v63  }
0xad: {  	s5 =	sadd.s32 $0x60, s5  }
.LBB2_7:
0xae: {  	p1 =	sne.s32 s5, $0x2FA0  }
.Ltmp12:
0xaf: {  	_ = 	snop;
	(pc) =	sbr.rel @p1 .LBB2_7-.Ltmp12, $4  }
0xb0: {  	_ = 	snop  }
0xb1: {  	s28 =	sshra.s32 s5, $0x2;
	s5 =	sadd.s32 $0x60, s5  }
0xb2: {  	s0 =	sadd.s32 $0x40, s0;
	s28 =	sadd.s32 s28, s8  }
0xb3: {  	[spmem:s28] =	stream.linear.scatter [tilespmem:s0], [sflag:$0x1], $0x18, $0x38;
	[tilespmem:$0x1E800] =	vst v63  }
0xb4: {  	_ =	swait.ge [sflag:s29], $0xC00  }
0xb5: {  	[sflag:s29] =	ssyncset.done $0x0  }
0xb6: {  	s0 =	simm.s32 $0x1B800;
	s5 =	sadd.s32 $0x0, s9;
	[sflag:s29] =	ssyncadd.s32 $0xFFFFF400  }
0xb7: {  	[spmem:s5] =	stream.linear.scatter [tilespmem:s0], [sflag:$0x1], $0x18, $0x38;
	[tilespmem:$0x1E800] =	vst v63  }
0xb8: {  	s5 =	simm.s32 $0x60  }
.LBB2_9:
0xb9: {  	p1 =	sne.s32 s5, $0x2FA0  }
.Ltmp13:
0xba: {  	_ = 	snop;
	(pc) =	sbr.rel @p1 .LBB2_9-.Ltmp13, $4  }
0xbb: {  	_ = 	snop  }
0xbc: {  	s28 =	sshra.s32 s5, $0x2;
	s5 =	sadd.s32 $0x60, s5  }
0xbd: {  	s0 =	sadd.s32 $0x40, s0;
	s28 =	sadd.s32 s28, s9  }
0xbe: {  	[spmem:s28] =	stream.linear.scatter [tilespmem:s0], [sflag:$0x1], $0x18, $0x38;
	[tilespmem:$0x1E800] =	vst v63  }
0xbf: {  	_ =	swait.ge [sflag:s29], $0xC00  }
0xc0: {  	[sflag:s29] =	ssyncset.done $0x0  }
0xc1: {  	s0 =	simm.s32 $0x1B800;
	s5 =	sadd.s32 $0x0, s24;
	[sflag:s29] =	ssyncadd.s32 $0xFFFFF400  }
0xc2: {  	[spmem:s5] =	stream.linear.scatter [tilespmem:s0], [sflag:$0x1], $0x18, $0x38;
	[tilespmem:$0x1E800] =	vst v63  }
0xc3: {  	s5 =	simm.s32 $0x60  }
.LBB2_11:
0xc4: {  	p1 =	sne.s32 s5, $0x2FA0  }
.Ltmp14:
0xc5: {  	_ = 	snop;
	(pc) =	sbr.rel @p1 .LBB2_11-.Ltmp14, $4  }
0xc6: {  	_ = 	snop  }
0xc7: {  	s28 =	sshra.s32 s5, $0x2;
	s5 =	sadd.s32 $0x60, s5  }
0xc8: {  	s0 =	sadd.s32 $0x40, s0;
	s28 =	sadd.s32 s28, s24  }
0xc9: {  	[spmem:s28] =	stream.linear.scatter [tilespmem:s0], [sflag:$0x1], $0x18, $0x38;
	[tilespmem:$0x1E800] =	vst v63  }
0xca: {  	_ =	swait.ge [sflag:s29], $0xC00  }
0xcb: {  	[sflag:s29] =	ssyncset.done $0x0  }
0xcc: {  	s0 =	simm.s32 $0x1B800;
	s5 =	sadd.s32 $0x0, s11;
	[sflag:s29] =	ssyncadd.s32 $0xFFFFF400  }
0xcd: {  	[spmem:s5] =	stream.linear.scatter [tilespmem:s0], [sflag:$0x1], $0x18, $0x38;
	[tilespmem:$0x1E800] =	vst v63  }
0xce: {  	s5 =	simm.s32 $0x60  }
.LBB2_13:
0xcf: {  	p1 =	sne.s32 s5, $0x2FA0  }
.Ltmp15:
0xd0: {  	_ = 	snop;
	(pc) =	sbr.rel @p1 .LBB2_13-.Ltmp15, $4  }
0xd1: {  	_ = 	snop  }
0xd2: {  	s28 =	sshra.s32 s5, $0x2;
	s5 =	sadd.s32 $0x60, s5  }
0xd3: {  	s0 =	sadd.s32 $0x40, s0;
	s28 =	sadd.s32 s28, s11  }
0xd4: {  	[spmem:s28] =	stream.linear.scatter [tilespmem:s0], [sflag:$0x1], $0x18, $0x38;
	[tilespmem:$0x1E800] =	vst v63  }
0xd5: {  	_ =	swait.ge [sflag:s29], $0xC00  }
0xd6: {  	[sflag:s29] =	ssyncset.done $0x0  }
0xd7: {  	s0 =	simm.s32 $0x1B800;
	s5 =	sadd.s32 $0x0, s12;
	[sflag:s29] =	ssyncadd.s32 $0xFFFFF400  }
0xd8: {  	[spmem:s5] =	stream.linear.scatter [tilespmem:s0], [sflag:$0x1], $0x18, $0x38;
	[tilespmem:$0x1E800] =	vst v63  }
0xd9: {  	s5 =	simm.s32 $0x60  }
.LBB2_15:
0xda: {  	p1 =	sne.s32 s5, $0x2FA0  }
.Ltmp16:
0xdb: {  	_ = 	snop;
	(pc) =	sbr.rel @p1 .LBB2_15-.Ltmp16, $4  }
0xdc: {  	_ = 	snop  }
0xdd: {  	s28 =	sshra.s32 s5, $0x2;
	s5 =	sadd.s32 $0x60, s5  }
0xde: {  	s0 =	sadd.s32 $0x40, s0;
	s28 =	sadd.s32 s28, s12  }
0xdf: {  	[spmem:s28] =	stream.linear.scatter [tilespmem:s0], [sflag:$0x1], $0x18, $0x38;
	[tilespmem:$0x1E800] =	vst v63  }
0xe0: {  	_ =	swait.ge [sflag:s29], $0xC00  }
0xe1: {  	[sflag:s29] =	ssyncset.done $0x0  }
0xe2: {  	s0 =	simm.s32 $0x1B800;
	s5 =	sadd.s32 $0x0, s13;
	[sflag:s29] =	ssyncadd.s32 $0xFFFFF400  }
0xe3: {  	[spmem:s5] =	stream.linear.scatter [tilespmem:s0], [sflag:$0x1], $0x18, $0x38;
	[tilespmem:$0x1E800] =	vst v63  }
0xe4: {  	s5 =	simm.s32 $0x60  }
.LBB2_17:
0xe5: {  	p1 =	sne.s32 s5, $0x2FA0  }
.Ltmp17:
0xe6: {  	_ = 	snop;
	(pc) =	sbr.rel @p1 .LBB2_17-.Ltmp17, $4  }
0xe7: {  	_ = 	snop  }
0xe8: {  	s28 =	sshra.s32 s5, $0x2;
	s5 =	sadd.s32 $0x60, s5  }
0xe9: {  	s0 =	sadd.s32 $0x40, s0;
	s28 =	sadd.s32 s28, s13  }
0xea: {  	[spmem:s28] =	stream.linear.scatter [tilespmem:s0], [sflag:$0x1], $0x18, $0x38;
	[tilespmem:$0x1E800] =	vst v63  }
0xeb: {  	_ =	swait.ge [sflag:s29], $0xC00  }
0xec: {  	[sflag:s29] =	ssyncset.done $0x0  }
0xed: {  	s0 =	simm.s32 $0x1B800;
	s5 =	sadd.s32 $0x0, s17;
	[sflag:s29] =	ssyncadd.s32 $0xFFFFF400  }
0xee: {  	[spmem:s5] =	stream.linear.scatter [tilespmem:s0], [sflag:$0x1], $0x18, $0x38;
	[tilespmem:$0x1E800] =	vst v63  }
0xef: {  	s5 =	simm.s32 $0x60  }
.LBB2_19:
0xf0: {  	p1 =	sne.s32 s5, $0x2FA0  }
.Ltmp18:
0xf1: {  	_ = 	snop;
	(pc) =	sbr.rel @p1 .LBB2_19-.Ltmp18, $4  }
0xf2: {  	_ = 	snop  }
0xf3: {  	s28 =	sshra.s32 s5, $0x2;
	s5 =	sadd.s32 $0x60, s5  }
0xf4: {  	s0 =	sadd.s32 $0x40, s0;
	s28 =	sadd.s32 s28, s17  }
0xf5: {  	[spmem:s28] =	stream.linear.scatter [tilespmem:s0], [sflag:$0x1], $0x18, $0x38;
	[tilespmem:$0x1E800] =	vst v63  }
0xf6: {  	_ =	swait.ge [sflag:s29], $0xC00  }
0xf7: {  	[sflag:s29] =	ssyncset.done $0x0  }
0xf8: {  	s0 =	simm.s32 $0x1B800;
	s5 =	sadd.s32 $0x0, s23;
	[sflag:s29] =	ssyncadd.s32 $0xFFFFF400  }
0xf9: {  	[spmem:s5] =	stream.linear.scatter [tilespmem:s0], [sflag:$0x1], $0x18, $0x38;
	[tilespmem:$0x1E800] =	vst v63  }
0xfa: {  	s5 =	simm.s32 $0x60  }
.LBB2_21:
0xfb: {  	p1 =	sne.s32 s5, $0x2FA0  }
.Ltmp19:
0xfc: {  	_ = 	snop;
	(pc) =	sbr.rel @p1 .LBB2_21-.Ltmp19, $4  }
0xfd: {  	_ = 	snop  }
0xfe: {  	s28 =	sshra.s32 s5, $0x2;
	s5 =	sadd.s32 $0x60, s5  }
0xff: {  	s0 =	sadd.s32 $0x40, s0;
	s28 =	sadd.s32 s28, s23  }
0x100: {  	[spmem:s28] =	stream.linear.scatter [tilespmem:s0], [sflag:$0x1], $0x18, $0x38;
	[tilespmem:$0x1E800] =	vst v63  }
0x101: {  	_ =	swait.ge [sflag:s29], $0xC00  }
0x102: {  	[sflag:s29] =	ssyncset.done $0x0  }
0x103: {  	[sflag:s29] =	ssyncadd.s32 $0xFFFFF400  }
0x104: {  	[bflag:$0x0] =	sbarrier.arrive $0xFFFF  }
0x105: {  	s0 =	simm.s32 $0x1A000;
	s6 =	simm.s32 $0x0;
	s5 =	rddreg [dreg:$0x15]  }
0x106: {  	[tilespmem:s0], [sflag:$0x1] =	stream.linear.gather [hbm4b:s5+s6], $0x1800, $0x38;
	[tilespmem:$0x1E800] =	vst v63  }
0x107: {  	_ =	swait.ge [sflag:s29], $0x1800  }
0x108: {  	[sflag:s29] =	ssyncset.done $0x0  }
0x109: {  	s13 =	simm.s32 $0x1E400;
	[sflag:s29] =	ssyncadd.s32 $0xFFFFE800  }
0x10a: {  	[spmem:s31] =	stream.indirect.scatter.add.f32 [tilespmem:s0], [sflag:$0x1], $0x18, s13, s30, $0xb8;
	[tilespmem:$0x1E800] =	vst v63  }
0x10b: {  	_ =	swait.ge [sflag:s29], $0xC00  }
0x10c: {  	[sflag:s29] =	ssyncset.done $0x0  }
0x10d: {  	s5 =	simm.s32 $0x1AC00;
	[sflag:s29] =	ssyncadd.s32 $0xFFFFF400  }
0x10e: {  	[spmem:s31] =	stream.indirect.scatter.add.f32 [tilespmem:s5], [sflag:$0x1], $0x18, s19, s30, $0xb8;
	[tilespmem:$0x1E800] =	vst v63  }
0x10f: {  	_ =	swait.ge [sflag:s29], $0xC00  }
0x110: {  	[sflag:s29] =	ssyncset.done $0x0  }
0x111: {  	s28 =	rddreg [dreg:$0x12];
	[sflag:s29] =	ssyncadd.s32 $0xFFFFF400  }
0x112: {  	[tilespmem:s0], [sflag:$0x1] =	stream.linear.gather [hbm4b:s28+s6], $0x1800, $0x38;
	[tilespmem:$0x1E800] =	vst v63  }
0x113: {  	_ =	swait.ge [sflag:s29], $0x1800  }
0x114: {  	[sflag:s29] =	ssyncset.done $0x0  }
0x115: {  	[sflag:s29] =	ssyncadd.s32 $0xFFFFE800  }
0x116: {  	[spmem:s31] =	stream.indirect.scatter.add.f32 [tilespmem:s0], [sflag:$0x1], $0x18, s20, s30, $0xb8;
	[tilespmem:$0x1E800] =	vst v63  }
0x117: {  	_ =	swait.ge [sflag:s29], $0xC00  }
0x118: {  	[sflag:s29] =	ssyncset.done $0x0  }
0x119: {  	[sflag:s29] =	ssyncadd.s32 $0xFFFFF400  }
0x11a: {  	[spmem:s31] =	stream.indirect.scatter.add.f32 [tilespmem:s5], [sflag:$0x1], $0x18, s21, s30, $0xb8;
	[tilespmem:$0x1E800] =	vst v63  }
0x11b: {  	_ =	swait.ge [sflag:s29], $0xC00  }
0x11c: {  	[sflag:s29] =	ssyncset.done $0x0  }
0x11d: {  	s28 =	rddreg [dreg:$0x13];
	[sflag:s29] =	ssyncadd.s32 $0xFFFFF400  }
0x11e: {  	[tilespmem:s0], [sflag:$0x1] =	stream.linear.gather [hbm4b:s28+s6], $0x1800, $0x38;
	[tilespmem:$0x1E800] =	vst v63  }
0x11f: {  	_ =	swait.ge [sflag:s29], $0x1800  }
0x120: {  	[sflag:s29] =	ssyncset.done $0x0  }
0x121: {  	[sflag:s29] =	ssyncadd.s32 $0xFFFFE800  }
0x122: {  	[spmem:s31] =	stream.indirect.scatter.add.f32 [tilespmem:s0], [sflag:$0x1], $0x18, s18, s30, $0xb8;
	[tilespmem:$0x1E800] =	vst v63  }
0x123: {  	_ =	swait.ge [sflag:s29], $0xC00  }
0x124: {  	[sflag:s29] =	ssyncset.done $0x0  }
0x125: {  	[sflag:s29] =	ssyncadd.s32 $0xFFFFF400  }
0x126: {  	[spmem:s31] =	stream.indirect.scatter.add.f32 [tilespmem:s5], [sflag:$0x1], $0x18, s1, s30, $0xb8;
	[tilespmem:$0x1E800] =	vst v63  }
0x127: {  	_ =	swait.ge [sflag:s29], $0xC00  }
0x128: {  	[sflag:s29] =	ssyncset.done $0x0  }
0x129: {  	s28 =	rddreg [dreg:$0x14];
	[sflag:s29] =	ssyncadd.s32 $0xFFFFF400  }
0x12a: {  	[tilespmem:s0], [sflag:$0x1] =	stream.linear.gather [hbm4b:s28+s6], $0x1800, $0x38;
	[tilespmem:$0x1E800] =	vst v63  }
0x12b: {  	_ =	swait.ge [sflag:s29], $0x1800  }
0x12c: {  	[sflag:s29] =	ssyncset.done $0x0  }
0x12d: {  	s6 =	simm.s32 $0x1E400;
	s28 =	rddreg [dreg:$0xf];
	[sflag:s29] =	ssyncadd.s32 $0xFFFFE800  }
.LBB2_40:
0x12e: {  	s9 =	simm.s32 $0x1E700  }
0x12f: {  	[spmem:s31] =	stream.indirect.scatter.add.f32 [tilespmem:s0], [sflag:$0x1], $0x18, s9, s30, $0xb8;
	[tilespmem:$0x1E800] =	vst v63  }
0x130: {  	_ =	swait.ge [sflag:s29], $0xC00  }
0x131: {  	[sflag:s29] =	ssyncset.done $0x0  }
0x132: {  	s11 =	simm.s32 $0x1E780;
	[sflag:s29] =	ssyncadd.s32 $0xFFFFF400  }
0x133: {  	[spmem:s31] =	stream.indirect.scatter.add.f32 [tilespmem:s5], [sflag:$0x1], $0x18, s11, s30, $0xb8;
	[tilespmem:$0x1E800] =	vst v63  }
0x134: {  	_ =	swait.ge [sflag:s29], $0xC00  }
0x135: {  	s13 =	stileid.u32;
	s8 =	sshrl.u32 s8, $0x3;
	[sflag:s29] =	ssyncset.done $0x0  }
0x136: {  	s5 =	sshll.u32 s13, $0x6;
	s12 =	rddreg [dreg:$0x11];
	[sflag:s29] =	ssyncadd.s32 $0xFFFFF400  }
0x137: {  	s0 =	sadd.s32 s28, s12;
	s28 =	sor.u32 $0x1C01, s5;
	[bflag:$0x0] =	sbarrier.arrive $0xFFFF  }
0x138: {  	[hbm:s0], [sflag:s28] =	dma.local [spmem:s8], $0xC00  }
0x139: {  	_ =	swait.ge [sflag:s29], $0xC00  }
0x13a: {  	[sflag:s29] =	ssyncset.done $0x0  }
0x13b: {  	[sflag:s29] =	ssyncadd.s32 $0xFFFFF400  }
0x13c: {  	[spmem:s10] =	stream.linear.scatter [tilespmem:s22], [sflag:$0x1], $0x2000, $0x38;
	[tilespmem:$0x1E800] =	vst v63  }
0x13d: {  	_ =	swait.ge [sflag:s29], $0x2000  }
0x13e: {  	[sflag:s29] =	ssyncset.done $0x0  }
0x13f: {  	s12 =	rddreg [dreg:$0x6];
	[sflag:s29] =	ssyncadd.s32 $0xFFFFE000  }
0x140: {  	[spmem:s12] =	stream.linear.scatter [tilespmem:s22], [sflag:$0x1], $0x2000, $0x38;
	[tilespmem:$0x1E800] =	vst v63  }
0x141: {  	_ =	swait.ge [sflag:s29], $0x2000  }
0x142: {  	[sflag:s29] =	ssyncset.done $0x0  }
0x143: {  	s13 =	rddreg [dreg:$0x7];
	[sflag:s29] =	ssyncadd.s32 $0xFFFFE000  }
0x144: {  	[spmem:s13] =	stream.linear.scatter [tilespmem:s22], [sflag:$0x1], $0x2000, $0x38;
	[tilespmem:$0x1E800] =	vst v63  }
0x145: {  	_ =	swait.ge [sflag:s29], $0x2000  }
0x146: {  	[sflag:s29] =	ssyncset.done $0x0  }
0x147: {  	s5 =	rddreg [dreg:$0x8];
	[sflag:s29] =	ssyncadd.s32 $0xFFFFE000  }
0x148: {  	[spmem:s5] =	stream.linear.scatter [tilespmem:s22], [sflag:$0x1], $0x2000, $0x38;
	[tilespmem:$0x1E800] =	vst v63  }
0x149: {  	_ =	swait.ge [sflag:s29], $0x2000  }
0x14a: {  	[sflag:s29] =	ssyncset.done $0x0  }
0x14b: {  	s8 =	rddreg [dreg:$0x9];
	[sflag:s29] =	ssyncadd.s32 $0xFFFFE000  }
0x14c: {  	[spmem:s8] =	stream.linear.scatter [tilespmem:s22], [sflag:$0x1], $0x2000, $0x38;
	[tilespmem:$0x1E800] =	vst v63  }
0x14d: {  	_ =	swait.ge [sflag:s29], $0x2000  }
0x14e: {  	[sflag:s29] =	ssyncset.done $0x0  }
0x14f: {  	s12 =	rddreg [dreg:$0xa];
	[sflag:s29] =	ssyncadd.s32 $0xFFFFE000  }
0x150: {  	[spmem:s12] =	stream.linear.scatter [tilespmem:s22], [sflag:$0x1], $0x2000, $0x38;
	[tilespmem:$0x1E800] =	vst v63  }
0x151: {  	_ =	swait.ge [sflag:s29], $0x2000  }
0x152: {  	[sflag:s29] =	ssyncset.done $0x0  }
0x153: {  	s13 =	rddreg [dreg:$0xb];
	[sflag:s29] =	ssyncadd.s32 $0xFFFFE000  }
0x154: {  	[spmem:s13] =	stream.linear.scatter [tilespmem:s22], [sflag:$0x1], $0x2000, $0x38;
	[tilespmem:$0x1E800] =	vst v63  }
0x155: {  	_ =	swait.ge [sflag:s29], $0x2000  }
0x156: {  	[sflag:s29] =	ssyncset.done $0x0  }
0x157: {  	s5 =	rddreg [dreg:$0xc];
	[sflag:s29] =	ssyncadd.s32 $0xFFFFE000  }
0x158: {  	[spmem:s5] =	stream.linear.scatter [tilespmem:s22], [sflag:$0x1], $0x2000, $0x38;
	[tilespmem:$0x1E800] =	vst v63  }
0x159: {  	_ =	swait.ge [sflag:s29], $0x2000  }
0x15a: {  	[sflag:s29] =	ssyncset.done $0x0  }
0x15b: {  	[sflag:s29] =	ssyncadd.s32 $0xFFFFE000  }
0x15c: {  	s8 =	sadd.s32 $0x0, s15;
	[bflag:$0x0] =	sbarrier.arrive $0xFFFF  }
0x15d: {  	[tilespmem:s7], [sflag:$0x1] =	stream.strided.gather [hbm4b:s8+s2], $0x4000, s4, s2, $0x38;
	[tilespmem:$0x1E800] =	vst v63  }
0x15e: {  	_ =	swait.ge [sflag:s29], $0x4000  }
0x15f: {  	[sflag:s29] =	ssyncset.done $0x0  }
0x160: {  	[sflag:s29] =	ssyncadd.s32 $0xFFFFC000  }
0x161: {  	[spmem:s3] =	stream.indirect.scatter.add.f32 [tilespmem:s7], [sflag:$0x1], $0x40, s6, s30, $0xb8;
	[tilespmem:$0x1E800] =	vst v63  }
0x162: {  	_ =	swait.ge [sflag:s29], $0x2000  }
0x163: {  	[sflag:s29] =	ssyncset.done $0x0  }
0x164: {  	[sflag:s29] =	ssyncadd.s32 $0xFFFFE000  }
0x165: {  	[spmem:s3] =	stream.indirect.scatter.add.f32 [tilespmem:s25], [sflag:$0x1], $0x40, s19, s30, $0xb8;
	[tilespmem:$0x1E800] =	vst v63  }
0x166: {  	_ =	swait.ge [sflag:s29], $0x2000  }
0x167: {  	s12 =	rddreg [dreg:$0xd];
	[sflag:s29] =	ssyncset.done $0x0  }
0x168: {  	[sflag:s29] =	ssyncadd.s32 $0xFFFFE000;
	s0 =	sadd.s32 $0x0, s12  }
0x169: {  	[tilespmem:s7], [sflag:$0x1] =	stream.strided.gather [hbm4b:s0+s2], $0x4000, s4, s2, $0x38;
	[tilespmem:$0x1E800] =	vst v63  }
0x16a: {  	_ =	swait.ge [sflag:s29], $0x4000  }
0x16b: {  	[sflag:s29] =	ssyncset.done $0x0  }
0x16c: {  	[sflag:s29] =	ssyncadd.s32 $0xFFFFC000  }
0x16d: {  	[spmem:s3] =	stream.indirect.scatter.add.f32 [tilespmem:s7], [sflag:$0x1], $0x40, s20, s30, $0xb8;
	[tilespmem:$0x1E800] =	vst v63  }
0x16e: {  	_ =	swait.ge [sflag:s29], $0x2000  }
0x16f: {  	[sflag:s29] =	ssyncset.done $0x0  }
0x170: {  	[sflag:s29] =	ssyncadd.s32 $0xFFFFE000  }
0x171: {  	[spmem:s3] =	stream.indirect.scatter.add.f32 [tilespmem:s25], [sflag:$0x1], $0x40, s21, s30, $0xb8;
	[tilespmem:$0x1E800] =	vst v63  }
0x172: {  	_ =	swait.ge [sflag:s29], $0x2000  }
0x173: {  	[sflag:s29] =	ssyncset.done $0x0  }
0x174: {  	s13 =	sadd.s32 $0x0, s16;
	[sflag:s29] =	ssyncadd.s32 $0xFFFFE000  }
0x175: {  	[tilespmem:s7], [sflag:$0x1] =	stream.strided.gather [hbm4b:s13+s2], $0x4000, s4, s2, $0x38;
	[tilespmem:$0x1E800] =	vst v63  }
0x176: {  	_ =	swait.ge [sflag:s29], $0x4000  }
0x177: {  	[sflag:s29] =	ssyncset.done $0x0  }
0x178: {  	[sflag:s29] =	ssyncadd.s32 $0xFFFFC000  }
0x179: {  	[spmem:s3] =	stream.indirect.scatter.add.f32 [tilespmem:s7], [sflag:$0x1], $0x40, s18, s30, $0xb8;
	[tilespmem:$0x1E800] =	vst v63  }
0x17a: {  	_ =	swait.ge [sflag:s29], $0x2000  }
0x17b: {  	[sflag:s29] =	ssyncset.done $0x0  }
0x17c: {  	[sflag:s29] =	ssyncadd.s32 $0xFFFFE000  }
0x17d: {  	[spmem:s3] =	stream.indirect.scatter.add.f32 [tilespmem:s25], [sflag:$0x1], $0x40, s1, s30, $0xb8;
	[tilespmem:$0x1E800] =	vst v63  }
0x17e: {  	_ =	swait.ge [sflag:s29], $0x2000  }
0x17f: {  	[sflag:s29] =	ssyncset.done $0x0  }
0x180: {  	s18 =	sadd.s32 $0x0, s14;
	[sflag:s29] =	ssyncadd.s32 $0xFFFFE000  }
0x181: {  	[tilespmem:s7], [sflag:$0x1] =	stream.strided.gather [hbm4b:s18+s2], $0x4000, s4, s2, $0x38;
	[tilespmem:$0x1E800] =	vst v63  }
0x182: {  	_ =	swait.ge [sflag:s29], $0x4000  }
0x183: {  	[sflag:s29] =	ssyncset.done $0x0  }
0x184: {  	[sflag:s29] =	ssyncadd.s32 $0xFFFFC000  }
0x185: {  	[spmem:s3] =	stream.indirect.scatter.add.f32 [tilespmem:s7], [sflag:$0x1], $0x40, s9, s30, $0xb8;
	[tilespmem:$0x1E800] =	vst v63  }
0x186: {  	_ =	swait.ge [sflag:s29], $0x2000  }
0x187: {  	[sflag:s29] =	ssyncset.done $0x0  }
0x188: {  	[sflag:s29] =	ssyncadd.s32 $0xFFFFE000  }
0x189: {  	[spmem:s3] =	stream.indirect.scatter.add.f32 [tilespmem:s25], [sflag:$0x1], $0x40, s11, s30, $0xb8;
	[tilespmem:$0x1E800] =	vst v63  }
0x18a: {  	s31 =	sshrl.u32 s10, $0x3;
	s8 =	simm.s32 $0x1E680;
	_ =	swait.ge [sflag:s29], $0x2000  }
0x18b: {  	s19 =	sadd.s32 $0x0, s26;
	s12 =	smov.u32 s10;
	[sflag:s29] =	ssyncset.done $0x0  }
0x18c: {  	s0 =	simm.s32 $0x10;
	s20 =	simm.s32 $0x120;
	[sflag:s29] =	ssyncadd.s32 $0xFFFFE000  }
0x18d: {  	s21 =	simm.s32 $0x8;
	s1 =	simm.s32 $0x1E600;
	[bflag:$0x0] =	sbarrier.arrive $0xFFFF  }
0x18e: {  	[hbm:s19@s20], [sflag:s28] =	dma.strided [spmem:s31@s21], $0x2000, s29, $0x8   }
0x18f: {  	s18 =	simm.s32 $0x1E580;
	s21 =	simm.s32 $0x1E500;
	_ =	swait.ge [sflag:s29], $0x2000  }
0x190: {  	s20 =	simm.s32 $0x1E480;
	s19 =	simm.s32 $0x1E400;
	[sflag:s29] =	ssyncset.done $0x0  }
.LBB2_41:
0x191: {  	[sflag:s29] =	ssyncadd.s32 $0xFFFFE000  }
0x192: {  	[spmem:s12] =	stream.linear.scatter [tilespmem:s22], [sflag:$0x1], $0x2000, $0x38;
	[tilespmem:$0x1E800] =	vst v63  }
0x193: {  	_ =	swait.ge [sflag:s29], $0x2000  }
0x194: {  	[sflag:s29] =	ssyncset.done $0x0  }
0x195: {  	s6 =	rddreg [dreg:$0x6];
	[sflag:s29] =	ssyncadd.s32 $0xFFFFE000  }
0x196: {  	[spmem:s6] =	stream.linear.scatter [tilespmem:s22], [sflag:$0x1], $0x2000, $0x38;
	[tilespmem:$0x1E800] =	vst v63  }
0x197: {  	_ =	swait.ge [sflag:s29], $0x2000  }
0x198: {  	[sflag:s29] =	ssyncset.done $0x0  }
0x199: {  	s6 =	rddreg [dreg:$0x7];
	[sflag:s29] =	ssyncadd.s32 $0xFFFFE000  }
0x19a: {  	[spmem:s6] =	stream.linear.scatter [tilespmem:s22], [sflag:$0x1], $0x2000, $0x38;
	[tilespmem:$0x1E800] =	vst v63  }
0x19b: {  	_ =	swait.ge [sflag:s29], $0x2000  }
0x19c: {  	[sflag:s29] =	ssyncset.done $0x0  }
0x19d: {  	s6 =	rddreg [dreg:$0x8];
	[sflag:s29] =	ssyncadd.s32 $0xFFFFE000  }
0x19e: {  	[spmem:s6] =	stream.linear.scatter [tilespmem:s22], [sflag:$0x1], $0x2000, $0x38;
	[tilespmem:$0x1E800] =	vst v63  }
0x19f: {  	_ =	swait.ge [sflag:s29], $0x2000  }
0x1a0: {  	[sflag:s29] =	ssyncset.done $0x0  }
0x1a1: {  	s6 =	rddreg [dreg:$0x9];
	[sflag:s29] =	ssyncadd.s32 $0xFFFFE000  }
0x1a2: {  	[spmem:s6] =	stream.linear.scatter [tilespmem:s22], [sflag:$0x1], $0x2000, $0x38;
	[tilespmem:$0x1E800] =	vst v63  }
0x1a3: {  	_ =	swait.ge [sflag:s29], $0x2000  }
0x1a4: {  	[sflag:s29] =	ssyncset.done $0x0  }
0x1a5: {  	s6 =	rddreg [dreg:$0xa];
	[sflag:s29] =	ssyncadd.s32 $0xFFFFE000  }
0x1a6: {  	[spmem:s6] =	stream.linear.scatter [tilespmem:s22], [sflag:$0x1], $0x2000, $0x38;
	[tilespmem:$0x1E800] =	vst v63  }
0x1a7: {  	_ =	swait.ge [sflag:s29], $0x2000  }
0x1a8: {  	[sflag:s29] =	ssyncset.done $0x0  }
0x1a9: {  	s6 =	rddreg [dreg:$0xb];
	[sflag:s29] =	ssyncadd.s32 $0xFFFFE000  }
0x1aa: {  	[spmem:s6] =	stream.linear.scatter [tilespmem:s22], [sflag:$0x1], $0x2000, $0x38;
	[tilespmem:$0x1E800] =	vst v63  }
0x1ab: {  	_ =	swait.ge [sflag:s29], $0x2000  }
0x1ac: {  	[sflag:s29] =	ssyncset.done $0x0  }
0x1ad: {  	s6 =	rddreg [dreg:$0xc];
	[sflag:s29] =	ssyncadd.s32 $0xFFFFE000  }
0x1ae: {  	[spmem:s6] =	stream.linear.scatter [tilespmem:s22], [sflag:$0x1], $0x2000, $0x38;
	[tilespmem:$0x1E800] =	vst v63  }
0x1af: {  	_ =	swait.ge [sflag:s29], $0x2000  }
0x1b0: {  	[sflag:s29] =	ssyncset.done $0x0  }
0x1b1: {  	s5 =	smov.u32 s0;
	[sflag:s29] =	ssyncadd.s32 $0xFFFFE000  }
0x1b2: {  	s6 =	sadd.s32 s5, s15;
	[bflag:$0x0] =	sbarrier.arrive $0xFFFF  }
0x1b3: {  	[tilespmem:s7], [sflag:$0x1] =	stream.strided.gather [hbm4b:s6+s2], $0x4000, s4, s2, $0x38;
	[tilespmem:$0x1E800] =	vst v63  }
0x1b4: {  	_ =	swait.ge [sflag:s29], $0x4000  }
0x1b5: {  	[sflag:s29] =	ssyncset.done $0x0  }
0x1b6: {  	[sflag:s29] =	ssyncadd.s32 $0xFFFFC000  }
0x1b7: {  	[spmem:s3] =	stream.indirect.scatter.add.f32 [tilespmem:s7], [sflag:$0x1], $0x40, s19, s30, $0xb8;
	[tilespmem:$0x1E800] =	vst v63  }
0x1b8: {  	_ =	swait.ge [sflag:s29], $0x2000  }
0x1b9: {  	[sflag:s29] =	ssyncset.done $0x0  }
0x1ba: {  	[sflag:s29] =	ssyncadd.s32 $0xFFFFE000  }
0x1bb: {  	[spmem:s3] =	stream.indirect.scatter.add.f32 [tilespmem:s25], [sflag:$0x1], $0x40, s20, s30, $0xb8;
	[tilespmem:$0x1E800] =	vst v63  }
0x1bc: {  	_ =	swait.ge [sflag:s29], $0x2000  }
0x1bd: {  	s6 =	rddreg [dreg:$0xd];
	[sflag:s29] =	ssyncset.done $0x0  }
0x1be: {  	[sflag:s29] =	ssyncadd.s32 $0xFFFFE000;
	s6 =	sadd.s32 s5, s6  }
0x1bf: {  	[tilespmem:s7], [sflag:$0x1] =	stream.strided.gather [hbm4b:s6+s2], $0x4000, s4, s2, $0x38;
	[tilespmem:$0x1E800] =	vst v63  }
0x1c0: {  	_ =	swait.ge [sflag:s29], $0x4000  }
0x1c1: {  	[sflag:s29] =	ssyncset.done $0x0  }
0x1c2: {  	[sflag:s29] =	ssyncadd.s32 $0xFFFFC000  }
0x1c3: {  	[spmem:s3] =	stream.indirect.scatter.add.f32 [tilespmem:s7], [sflag:$0x1], $0x40, s21, s30, $0xb8;
	[tilespmem:$0x1E800] =	vst v63  }
0x1c4: {  	_ =	swait.ge [sflag:s29], $0x2000  }
0x1c5: {  	[sflag:s29] =	ssyncset.done $0x0  }
0x1c6: {  	[sflag:s29] =	ssyncadd.s32 $0xFFFFE000  }
0x1c7: {  	[spmem:s3] =	stream.indirect.scatter.add.f32 [tilespmem:s25], [sflag:$0x1], $0x40, s18, s30, $0xb8;
	[tilespmem:$0x1E800] =	vst v63  }
0x1c8: {  	_ =	swait.ge [sflag:s29], $0x2000  }
0x1c9: {  	[sflag:s29] =	ssyncset.done $0x0  }
0x1ca: {  	s6 =	sadd.s32 s5, s16;
	[sflag:s29] =	ssyncadd.s32 $0xFFFFE000  }
0x1cb: {  	[tilespmem:s7], [sflag:$0x1] =	stream.strided.gather [hbm4b:s6+s2], $0x4000, s4, s2, $0x38;
	[tilespmem:$0x1E800] =	vst v63  }
0x1cc: {  	_ =	swait.ge [sflag:s29], $0x4000  }
0x1cd: {  	[sflag:s29] =	ssyncset.done $0x0  }
0x1ce: {  	[sflag:s29] =	ssyncadd.s32 $0xFFFFC000  }
0x1cf: {  	[spmem:s3] =	stream.indirect.scatter.add.f32 [tilespmem:s7], [sflag:$0x1], $0x40, s1, s30, $0xb8;
	[tilespmem:$0x1E800] =	vst v63  }
0x1d0: {  	_ =	swait.ge [sflag:s29], $0x2000  }
0x1d1: {  	[sflag:s29] =	ssyncset.done $0x0  }
0x1d2: {  	[sflag:s29] =	ssyncadd.s32 $0xFFFFE000  }
0x1d3: {  	[spmem:s3] =	stream.indirect.scatter.add.f32 [tilespmem:s25], [sflag:$0x1], $0x40, s8, s30, $0xb8;
	[tilespmem:$0x1E800] =	vst v63  }
0x1d4: {  	_ =	swait.ge [sflag:s29], $0x2000  }
0x1d5: {  	[sflag:s29] =	ssyncset.done $0x0  }
0x1d6: {  	s6 =	sadd.s32 s5, s14;
	[sflag:s29] =	ssyncadd.s32 $0xFFFFE000  }
0x1d7: {  	[tilespmem:s7], [sflag:$0x1] =	stream.strided.gather [hbm4b:s6+s2], $0x4000, s4, s2, $0x38;
	[tilespmem:$0x1E800] =	vst v63  }
0x1d8: {  	_ =	swait.ge [sflag:s29], $0x4000  }
0x1d9: {  	[sflag:s29] =	ssyncset.done $0x0  }
0x1da: {  	[sflag:s29] =	ssyncadd.s32 $0xFFFFC000  }
0x1db: {  	[spmem:s3] =	stream.indirect.scatter.add.f32 [tilespmem:s7], [sflag:$0x1], $0x40, s9, s30, $0xb8;
	[tilespmem:$0x1E800] =	vst v63  }
0x1dc: {  	_ =	swait.ge [sflag:s29], $0x2000  }
0x1dd: {  	[sflag:s29] =	ssyncset.done $0x0  }
0x1de: {  	[sflag:s29] =	ssyncadd.s32 $0xFFFFE000  }
0x1df: {  	[spmem:s3] =	stream.indirect.scatter.add.f32 [tilespmem:s25], [sflag:$0x1], $0x40, s11, s30, $0xb8;
	[tilespmem:$0x1E800] =	vst v63  }
0x1e0: {  	_ =	swait.ge [sflag:s29], $0x2000  }
0x1e1: {  	p1 =	sne.s32 s0, $0x110;
	[sflag:s29] =	ssyncset.done $0x0  }
.Ltmp20:
0x1e2: {  	s10 =	simm.s32 $0x120;
	[sflag:s29] =	ssyncadd.s32 $0xFFFFE000;
	(pc) =	sbr.rel @p1 .LBB2_41-.Ltmp20, $4  }
0x1e3: {  	s13 =	simm.s32 $0x8;
	s5 =	sadd.s32 s5, s26;
	[bflag:$0x0] =	sbarrier.arrive $0xFFFF  }
0x1e4: {  	[hbm:s5@s10], [sflag:s28] =	dma.strided [spmem:s31@s13], $0x2000, s29, $0x8   }
0x1e5: {  	_ =	swait.ge [sflag:s29], $0x2000  }
0x1e6: {  	s0 =	sadd.s32 $0x10, s0;
	[sflag:s29] =	ssyncset.done $0x0  }
0x1e7: {  	s5 =	rddreg [dreg:$0x1c]  }
0x1e8: {  	s0 =	rddreg [dreg:$0x16];
	s5 =	sadd.s32 $0x1, s5  }
0x1e9: {  	s8 =	rddreg [dreg:$0x17];
	p1 =	sne.s32 s5, s0  }
.Ltmp21:
0x1ea: {  	s9 =	rddreg [dreg:$0x18];
	(pc) =	sbr.rel @p1 .LBB2_1-.Ltmp21, $4  }
0x1eb: {  	[sflag:s29] =	ssyncadd.s32 $0xFFFFE000;
	s6 =	simm.s32 $0x1E400;
	s11 =	rddreg [dreg:$0x19]  }
0x1ec: {  	s19 =	simm.s32 $0x1E480;
	s10 =	smov.u32 s12;
	s12 =	rddreg [dreg:$0x1a]  }
0x1ed: {  	s20 =	simm.s32 $0x1E500;
	s21 =	simm.s32 $0x1E580;
	s13 =	rddreg [dreg:$0x1b]  }
0x1ee: {  	s18 =	simm.s32 $0x1E600;
	s1 =	simm.s32 $0x1E680;
	s31 =	rddreg [dreg:$0x3]  }
0x1ef: {  	_ =	sfence.sel $0x180000  }
0x1f0: {  	[bflag:$0x0] =	sbarrier.arrive $0xFFFF  }
0x1f1: {  	_ =	strace $0x90000047  }
0x1f2: {  	s0 =	stileid.u32;
	[bflag:$0x2] =	sbarrier.arrive $0xFFFF  }
0x1f3: {  	p0 =	sne.s32 s0, $0x0;
	s0 =	rddreg [dreg:$0x5]  }
0x1f4: {  	s0 =	sadd.s32 @!p0 $0x100000, s0  }
0x1f5: {  	[sflag:s0] =	ssyncadd.tile.s32 @!p0 $0x1;
	_ =	shalt  }
.Lfunc_end2:
_tile_overlayer_lowered:
.L_overlay_start_2:
0x1f6: {  	(tag) =	ssettag $0x2  }
0x1f7: {  	s0 =	rddreg [dreg:$0x0];
	s2 =	stileid.u32  }
0x1f8: {  	s1 =	rddreg [dreg:$0x1];
	p0 =	sne.s32 s2, $0x0  }
0x1f9: {  	s3 =	rddreg [dreg:$0x2];
	[bflag:$0x3] =	sbarrier.arrive $0xFFFF;
	s2 =	simm.s32 @!p0 $0x1C01  }
0x1fa: {  	[timem:s3], [sflag:s2] =	dma.local @!p0 [hbm:s0], s1  }
0x1fb: {  	s0 =	simm.s32 @!p0 $0x1  }
0x1fc: {  	_ =	swait.ge @!p0 [sflag:s0], s1  }
0x1fd: {  	s1 =	ssub.s32 @!p0 $0x0, s1;
	[sflag:s0] =	ssyncset.done @!p0 $0x0  }
0x1fe: {  	[sflag:s0] =	ssyncadd.s32 @!p0 s1  }
0x1ff: {  	[bflag:$0x3] =	sbarrier.arrive $0xFFFF  }
0x200: {  	_ =	shalt  }

</sc_bundles>
